<compile_context>
chip_gen: v7x
topology: tpu7x:2x2x1
jax: 0.10.2.dev20260603
libtpu: 0.0.44.dev20260713+nightly
codegen_flags: <defaults>
</compile_context>

<pallas_src>
import functools

import jax
import jax.numpy as jnp
from jax import lax
from jax.experimental import pallas as pl
from jax.experimental.pallas import tpu as pltpu
from jax.experimental.pallas import tpu_sc as plsc

_H = 64
_V = 64
_K = 6
_LS = _V + 1



def _make_sc_hist(B, L):
    info = plsc.get_sparse_core_info()
    NC, NS, NL = info.num_cores, info.num_subcores, info.num_lanes
    NW = NC * NS
    assert B % NW == 0 and L % (2 * NL) == 0
    rows_per_w = B // NW
    half = L // 2
    hgroups = half // NL
    hwords = NL * _LS

    mesh = plsc.VectorSubcoreMesh(core_axis_name="c", subcore_axis_name="s")

    @functools.partial(
        pl.kernel,
        out_type=jax.ShapeDtypeStruct((B, hwords), jnp.int32),
        mesh=mesh,
        compiler_params=pltpu.CompilerParams(needs_layout_passes=False),
        scratch_types=[
            pltpu.VMEM((rows_per_w, half), jnp.int32),
            pltpu.VMEM((rows_per_w, half), jnp.int32),
        ] + [pltpu.VMEM((hwords,), jnp.int32) for _ in range(4)]
          + [pltpu.SemaphoreType.DMA, pltpu.SemaphoreType.DMA],
    )
    def sc_hist(seq_hbm, out_hbm, seq_a, seq_b, *rest):
        hists, (sem_a, sem_b) = rest[:4], rest[4:]
        wid = lax.axis_index("s") * NC + lax.axis_index("c")
        base = wid * rows_per_w
        cp_a = pltpu.async_copy(
            seq_hbm.at[pl.ds(base, rows_per_w), pl.ds(0, half)], seq_a, sem_a)
        cp_b = pltpu.async_copy(
            seq_hbm.at[pl.ds(base, rows_per_w), pl.ds(half, half)], seq_b,
            sem_b)

        lanebase = lax.iota(jnp.int32, NL) * _LS
        ones = jnp.ones((NL,), jnp.int32)
        zeros = jnp.zeros((NL,), jnp.int32)

        for hbuf in hists:
            @plsc.parallel_loop(0, hwords // NL, 1, unroll=5)
            def zero_body(i, hbuf=hbuf):
                hbuf[pl.ds(i * NL, NL)] = zeros

        cp_a.wait()

        @plsc.parallel_loop(0, hgroups, 1, unroll=4)
        def grp_a(g):
            for r in range(rows_per_w):
                v = seq_a[r, pl.ds(g * NL, NL)]
                plsc.addupdate_scatter(hists[r], [lanebase + v], ones)

        cp_b.wait()

        @plsc.parallel_loop(0, hgroups, 1, unroll=4)
        def grp_b(g):
            for r in range(rows_per_w):
                v = seq_b[r, pl.ds(g * NL, NL)]
                plsc.addupdate_scatter(hists[r], [lanebase + v], ones)

        for r in range(rows_per_w):
            pltpu.sync_copy(hists[r], out_hbm.at[base + r])

    return sc_hist



def _pre_body(tailblk_ref, embed_ref, W1_ref, b1_ref, W2_ref, b2_ref,
              gamma_ref, beta_ref, Wq_ref, bq_ref, G_ref, logits_ref,
              ohsum_ref, h_ref):
    f32 = jnp.float32
    mm = lambda a, b: lax.dot_general(a, b, (((1,), (0,)), ((), ())),
                                      preferred_element_type=f32)
    e = embed_ref[...]
    a1 = jnp.maximum(mm(e, W1_ref[...]) + b1_ref[...], 0.0)
    ff = mm(a1, W2_ref[...]) + b2_ref[...]
    x = e + ff
    mu = jnp.mean(x, axis=-1, keepdims=True)
    var = jnp.mean((x - mu) ** 2, axis=-1, keepdims=True)
    h = (x - mu) / jnp.sqrt(var + 1e-5) * gamma_ref[...] + beta_ref[...]
    h_t = jnp.transpose(h)

    n2_col = jnp.sum(h * h, axis=-1, keepdims=True)
    n2_row = jnp.sum(h_t * h_t, axis=0, keepdims=True)
    G_ref[...] = (n2_col > n2_row).astype(f32)

    iv = lax.broadcasted_iota(jnp.int32, (1, _V), 1)
    oh0 = (tailblk_ref[:, 125:126] == iv).astype(f32)
    oh1 = (tailblk_ref[:, 126:127] == iv).astype(f32)
    oh2 = (tailblk_ref[:, 127:128] == iv).astype(f32)
    ohsum_ref[...] = oh0 + oh1 + oh2

    h_last = mm(oh2, h)
    q = mm(h_last, Wq_ref[...]) + bq_ref[...]
    logits_ref[...] = mm(q, h_t) * (1.0 / (_H ** 0.5))
    h_ref[...] = h


def _post_body(raw_ref, G_ref, logits_ref, ohsum_ref, h_ref, Wout_ref,
               bout_ref, out_ref):
    f32 = jnp.float32
    mm = lambda a, b: lax.dot_general(a, b, (((1,), (0,)), ((), ())),
                                      preferred_element_type=f32)
    raw = raw_ref[...]
    cnt = raw[:, 0:_V]
    for lane in range(1, 16):
        cnt = cnt + raw[:, lane * _LS:lane * _LS + _V]
    cf = cnt.astype(f32) - ohsum_ref[...]

    C = mm(cf, G_ref[...])
    m = jnp.minimum(jnp.maximum(float(_K) - C, 0.0), cf)

    lm = jnp.where(m > 0.0, logits_ref[...], -1e30)
    mx = jnp.max(lm, axis=-1, keepdims=True)
    p = m * jnp.exp(lm - mx)
    w = p / jnp.sum(p, axis=-1, keepdims=True)
    ctx = mm(w, h_ref[...])
    out_ref[...] = mm(ctx, Wout_ref[...]) + bout_ref[...]


def kernel(seq, embed, W1, b1, W2, b2, gamma, beta, Wq, bq, Wout, bout):
    B, L = seq.shape
    f32 = jnp.float32
    raw = _make_sc_hist(B, L)(seq)
    row = lambda v: v.reshape(1, -1)
    full = lambda a: pl.BlockSpec(a.shape, lambda i: (0,) * a.ndim)
    tail_spec = pl.BlockSpec((B, 128), lambda i: (0, L // 128 - 1))

    pre_args = (seq, embed, W1, row(b1), W2, row(b2), row(gamma), row(beta),
                Wq, row(bq))
    pre_specs = [tail_spec] + [full(a) for a in pre_args[1:]]
    sds = jax.ShapeDtypeStruct
    G, logits, ohsum, h = pl.pallas_call(
        _pre_body,
        out_shape=(sds((_V, _V), f32), sds((B, _V), f32), sds((B, _V), f32),
                   sds((_V, _H), f32)),
        grid=(1,),
        in_specs=pre_specs,
        out_specs=[full(sds((_V, _V), f32)), full(sds((B, _V), f32)),
                   full(sds((B, _V), f32)), full(sds((_V, _H), f32))],
    )(*pre_args)

    post_args = (raw, G, logits, ohsum, h, Wout, row(bout))
    out = pl.pallas_call(
        _post_body,
        out_shape=sds((B, _V), f32),
        grid=(1,),
        in_specs=[full(a) for a in post_args],
        out_specs=full(sds((B, _V), f32)),
    )(*post_args)
    return out

# --- scband reference (transcript-rebuilt; emitter-appended) ---
"""Pipeline reference for scband-slot-model-3204045603607 (READ-ONLY COPY).

The authoritative reference and input builder live on the scoring server;
editing this copy changes nothing except your own understanding.
"""

import jax, jax.numpy as jnp
import numpy as np

H = 64
V = 64
NUM_PAIRS = 4


def setup_inputs(seed: int = 0) -> dict:
    key = jax.random.key(seed)
    ks = jax.random.split(key, 16)
    B, L = 128, 8192
    seq = jax.random.randint(ks[0], (B, L), 0, V)
    s = 0.02
    embed = jax.random.normal(ks[1], (V, H), dtype=jnp.float32) * s
    W1 = jax.random.normal(ks[2], (H, 2 * H), dtype=jnp.float32) * s
    b1 = jnp.zeros((2 * H,), dtype=jnp.float32)
    W2 = jax.random.normal(ks[3], (2 * H, H), dtype=jnp.float32) * s
    b2 = jnp.zeros((H,), dtype=jnp.float32)
    gamma = jnp.ones((H,), dtype=jnp.float32)
    beta = jnp.zeros((H,), dtype=jnp.float32)
    Wq = jax.random.normal(ks[4], (H, H), dtype=jnp.float32) * s
    bq = jnp.zeros((H,), dtype=jnp.float32)
    Wout = jax.random.normal(ks[5], (H, V), dtype=jnp.float32) * s
    bout = jnp.zeros((V,), dtype=jnp.float32)
    return {"seq": seq, "embed": embed, "W1": W1, "b1": b1, "W2": W2,
            "b2": b2, "gamma": gamma, "beta": beta, "Wq": Wq, "bq": bq,
            "Wout": Wout, "bout": bout}


def reference(seq, embed, W1, b1, W2, b2, gamma, beta, Wq, bq, Wout, bout):
    B, L = seq.shape
    # Encoder
    e = jnp.take(embed, seq, axis=0)                      # gather [B, L, H]
    ff = jnp.maximum(e @ W1 + b1, 0.0) @ W2 + b2
    x = e + ff
    mu = jnp.mean(x, axis=-1, keepdims=True)
    var = jnp.mean((x - mu) ** 2, axis=-1, keepdims=True)
    h = (x - mu) / jnp.sqrt(var + 1e-5) * gamma + beta
    # SlotModel
    hh = h[:, :-3, :]
    norms = jnp.sqrt(jnp.sum(hh * hh, axis=-1))           # [B, L-3]
    k = min(NUM_PAIRS + 2, L - 3)
    _, idx = jax.lax.top_k(norms, k)                      # [B, k]
    slots = jnp.take_along_axis(hh, idx[:, :, None], axis=1)  # [B, k, H]
    q = (h[:, -1, :] @ Wq + bq)[:, None, :]               # [B, 1, H]
    logits = jnp.einsum('bqd,bkd->bqk', q, slots) / (H ** 0.5)
    attn = jax.nn.softmax(logits, axis=-1)
    ctx = jnp.einsum('bqk,bkd->bqd', attn, slots)[:, 0, :]
    return ctx @ Wout + bout

if __name__ == "__main__":
    import jax
    _d = setup_inputs()
    print(jax.jit(kernel)(*tuple(_d.values())))

</pallas_src>

<mosaic_0001>
#map = affine_map<(d0, d1) -> (0, 0)>
module attributes {stable_mosaic.version = 14 : i64} {
  func.func @sc_hist(%arg0: i32, %arg1: i32, %arg2: memref<128x8192xi32, #tpu.memory_space<hbm>>, %arg3: memref<128x1040xi32, #tpu.memory_space<hbm>>, %arg4: memref<4x4096xi32, #tpu.memory_space<vmem>>, %arg5: memref<4x4096xi32, #tpu.memory_space<vmem>>, %arg6: memref<1040xi32, #tpu.memory_space<vmem>>, %arg7: memref<1040xi32, #tpu.memory_space<vmem>>, %arg8: memref<1040xi32, #tpu.memory_space<vmem>>, %arg9: memref<1040xi32, #tpu.memory_space<vmem>>, %arg10: memref<!tpu.dma_semaphore, #tpu.memory_space<semaphore_mem>>, %arg11: memref<!tpu.dma_semaphore, #tpu.memory_space<semaphore_mem>>) attributes {dimension_semantics = [#tpu.dimension_semantics<core_parallel>, #tpu.dimension_semantics<subcore_parallel>], iteration_bounds = array<i64: 2, 16>, scalar_prefetch = 0 : i64, scratch_operands = 8 : i64, tpu.core_type = #tpu.core_type<sc_vector_subcore>, window_params = [{transform_indices = #map}, {transform_indices = #map}]} {
    %mul3A = arith.constant 2 : i32
    %mul3A_0 = arith.muli %arg1, %mul3A : i32
    %add3A = arith.addi %mul3A_0, %arg0 : i32
    %mul3A_1 = arith.constant 4 : i32
    %mul3A_2 = arith.muli %add3A, %mul3A_1 : i32
    %dma_start3A = arith.constant 0 : i32
    %dma_start3A_3 = tpu.memref_slice %arg2[%mul3A_2, %dma_start3A] : memref<128x8192xi32, #tpu.memory_space<hbm>> -> memref<4x4096xi32, #tpu.memory_space<hbm>>
    %dma_start3A_4 = arith.constant 0 : i32
    %dma_start3A_5 = tpu.memref_slice %arg2[%mul3A_2, %dma_start3A_4] : memref<128x8192xi32, #tpu.memory_space<hbm>> -> memref<4x4096xi32, #tpu.memory_space<hbm>>
    tpu.enqueue_dma source(%dma_start3A_5 : memref<4x4096xi32, #tpu.memory_space<hbm>>) target(%arg4 : memref<4x4096xi32, #tpu.memory_space<vmem>>) target_semaphore(%arg10 : memref<!tpu.dma_semaphore, #tpu.memory_space<semaphore_mem>>)
    %dma_start3A_6 = arith.constant 4096 : i32
    %dma_start3A_7 = tpu.memref_slice %arg2[%mul3A_2, %dma_start3A_6] : memref<128x8192xi32, #tpu.memory_space<hbm>> -> memref<4x4096xi32, #tpu.memory_space<hbm>>
    %dma_start3A_8 = arith.constant 4096 : i32
    %dma_start3A_9 = tpu.memref_slice %arg2[%mul3A_2, %dma_start3A_8] : memref<128x8192xi32, #tpu.memory_space<hbm>> -> memref<4x4096xi32, #tpu.memory_space<hbm>>
    tpu.enqueue_dma source(%dma_start3A_9 : memref<4x4096xi32, #tpu.memory_space<hbm>>) target(%arg5 : memref<4x4096xi32, #tpu.memory_space<vmem>>) target_semaphore(%arg11 : memref<!tpu.dma_semaphore, #tpu.memory_space<semaphore_mem>>)
    %iota3A = tpu.iota {dimensions = array<i32: 0>} : vector<16xi32>
    %mul3A_10 = arith.constant 65 : i32
    %mul3A_11 = vector.broadcast %mul3A_10 : i32 to vector<16xi32>
    %mul3A_12 = arith.muli %iota3A, %mul3A_11 : vector<16xi32>
    %broadcast_in_dim3A = arith.constant 1 : i32
    %broadcast_in_dim3A_13 = vector.broadcast %broadcast_in_dim3A : i32 to vector<16xi32>
    %broadcast_in_dim3A_14 = arith.constant 0 : i32
    %broadcast_in_dim3A_15 = vector.broadcast %broadcast_in_dim3A_14 : i32 to vector<16xi32>
    %parallel_loop3A = arith.constant 0 : i32
    %parallel_loop3A_16 = arith.constant 65 : i32
    %parallel_loop3A_17 = arith.constant 1 : i32
    scf.for %parallel_loop3A_48 = %parallel_loop3A to %parallel_loop3A_16 step %parallel_loop3A_17  : i32 {
      %parallel_loop3A_49 = arith.constant 16 : i32
      %parallel_loop3A_50 = arith.muli %parallel_loop3A_48, %parallel_loop3A_49 : i32
      %parallel_loop3A_51 = arith.index_cast %parallel_loop3A_50 : i32 to index
      %parallel_loop3A_52 = tpu.vector_load %arg6[%parallel_loop3A_51] {strides = array<i32>} : memref<1040xi32, #tpu.memory_space<vmem>>, vector<16xi32>,
      tpu.vector_store %arg6[%parallel_loop3A_51], %broadcast_in_dim3A_15 {strides = array<i32>} : memref<1040xi32, #tpu.memory_space<vmem>>, vector<16xi32>,
    } {sc.loop_unroll_factor = 5 : i64, sc.parallel_access}
    %parallel_loop3A_18 = arith.constant 0 : i32
    %parallel_loop3A_19 = arith.constant 65 : i32
    %parallel_loop3A_20 = arith.constant 1 : i32
    scf.for %parallel_loop3A_48 = %parallel_loop3A_18 to %parallel_loop3A_19 step %parallel_loop3A_20  : i32 {
      %parallel_loop3A_49 = arith.constant 16 : i32
      %parallel_loop3A_50 = arith.muli %parallel_loop3A_48, %parallel_loop3A_49 : i32
      %parallel_loop3A_51 = arith.index_cast %parallel_loop3A_50 : i32 to index
      %parallel_loop3A_52 = tpu.vector_load %arg7[%parallel_loop3A_51] {strides = array<i32>} : memref<1040xi32, #tpu.memory_space<vmem>>, vector<16xi32>,
      tpu.vector_store %arg7[%parallel_loop3A_51], %broadcast_in_dim3A_15 {strides = array<i32>} : memref<1040xi32, #tpu.memory_space<vmem>>, vector<16xi32>,
    } {sc.loop_unroll_factor = 5 : i64, sc.parallel_access}
    %parallel_loop3A_21 = arith.constant 0 : i32
    %parallel_loop3A_22 = arith.constant 65 : i32
    %parallel_loop3A_23 = arith.constant 1 : i32
    scf.for %parallel_loop3A_48 = %parallel_loop3A_21 to %parallel_loop3A_22 step %parallel_loop3A_23  : i32 {
      %parallel_loop3A_49 = arith.constant 16 : i32
      %parallel_loop3A_50 = arith.muli %parallel_loop3A_48, %parallel_loop3A_49 : i32
      %parallel_loop3A_51 = arith.index_cast %parallel_loop3A_50 : i32 to index
      %parallel_loop3A_52 = tpu.vector_load %arg8[%parallel_loop3A_51] {strides = array<i32>} : memref<1040xi32, #tpu.memory_space<vmem>>, vector<16xi32>,
      tpu.vector_store %arg8[%parallel_loop3A_51], %broadcast_in_dim3A_15 {strides = array<i32>} : memref<1040xi32, #tpu.memory_space<vmem>>, vector<16xi32>,
    } {sc.loop_unroll_factor = 5 : i64, sc.parallel_access}
    %parallel_loop3A_24 = arith.constant 0 : i32
    %parallel_loop3A_25 = arith.constant 65 : i32
    %parallel_loop3A_26 = arith.constant 1 : i32
    scf.for %parallel_loop3A_48 = %parallel_loop3A_24 to %parallel_loop3A_25 step %parallel_loop3A_26  : i32 {
      %parallel_loop3A_49 = arith.constant 16 : i32
      %parallel_loop3A_50 = arith.muli %parallel_loop3A_48, %parallel_loop3A_49 : i32
      %parallel_loop3A_51 = arith.index_cast %parallel_loop3A_50 : i32 to index
      %parallel_loop3A_52 = tpu.vector_load %arg9[%parallel_loop3A_51] {strides = array<i32>} : memref<1040xi32, #tpu.memory_space<vmem>>, vector<16xi32>,
      tpu.vector_store %arg9[%parallel_loop3A_51], %broadcast_in_dim3A_15 {strides = array<i32>} : memref<1040xi32, #tpu.memory_space<vmem>>, vector<16xi32>,
    } {sc.loop_unroll_factor = 5 : i64, sc.parallel_access}
    %dma_wait3A = arith.constant 0 : i32
    %dma_wait3A_27 = tpu.memref_slice %arg2[%mul3A_2, %dma_wait3A] : memref<128x8192xi32, #tpu.memory_space<hbm>> -> memref<4x4096xi32, #tpu.memory_space<hbm>>
    %dma_wait3A_28 = arith.constant 0 : i32
    %dma_wait3A_29 = tpu.memref_slice %arg2[%mul3A_2, %dma_wait3A_28] : memref<128x8192xi32, #tpu.memory_space<hbm>> -> memref<4x4096xi32, #tpu.memory_space<hbm>>
    tpu.wait_dma2 semaphore(%arg10 : memref<!tpu.dma_semaphore, #tpu.memory_space<semaphore_mem>>) src(%dma_wait3A_29 : memref<4x4096xi32, #tpu.memory_space<hbm>>) dst(%arg4 : memref<4x4096xi32, #tpu.memory_space<vmem>>)
    %parallel_loop3A_30 = arith.constant 0 : i32
    %parallel_loop3A_31 = arith.constant 256 : i32
    %parallel_loop3A_32 = arith.constant 1 : i32
    scf.for %parallel_loop3A_48 = %parallel_loop3A_30 to %parallel_loop3A_31 step %parallel_loop3A_32  : i32 {
      %parallel_loop3A_49 = arith.constant 16 : i32
      %parallel_loop3A_50 = arith.muli %parallel_loop3A_48, %parallel_loop3A_49 : i32
      %parallel_loop3A_51 = arith.constant 0 : i32
      %parallel_loop3A_52 = arith.index_cast %parallel_loop3A_51 : i32 to index
      %parallel_loop3A_53 = arith.index_cast %parallel_loop3A_50 : i32 to index
      %parallel_loop3A_54 = tpu.vector_load %arg4[%parallel_loop3A_52, %parallel_loop3A_53] {strides = array<i32>} : memref<4x4096xi32, #tpu.memory_space<vmem>>, vector<16xi32>,
      %parallel_loop3A_55 = arith.addi %mul3A_12, %parallel_loop3A_54 : vector<16xi32>
      tpu.vector_store_idx %arg6[%parallel_loop3A_55], %broadcast_in_dim3A_13 {add = true} : memref<1040xi32, #tpu.memory_space<vmem>>[vector<16xi32>], vector<16xi32>,
      %parallel_loop3A_56 = arith.constant 16 : i32
      %parallel_loop3A_57 = arith.muli %parallel_loop3A_48, %parallel_loop3A_56 : i32
      %parallel_loop3A_58 = arith.constant 1 : i32
      %parallel_loop3A_59 = arith.index_cast %parallel_loop3A_58 : i32 to index
      %parallel_loop3A_60 = arith.index_cast %parallel_loop3A_57 : i32 to index
      %parallel_loop3A_61 = tpu.vector_load %arg4[%parallel_loop3A_59, %parallel_loop3A_60] {strides = array<i32>} : memref<4x4096xi32, #tpu.memory_space<vmem>>, vector<16xi32>,
      %parallel_loop3A_62 = arith.addi %mul3A_12, %parallel_loop3A_61 : vector<16xi32>
      tpu.vector_store_idx %arg7[%parallel_loop3A_62], %broadcast_in_dim3A_13 {add = true} : memref<1040xi32, #tpu.memory_space<vmem>>[vector<16xi32>], vector<16xi32>,
      %parallel_loop3A_63 = arith.constant 16 : i32
      %parallel_loop3A_64 = arith.muli %parallel_loop3A_48, %parallel_loop3A_63 : i32
      %parallel_loop3A_65 = arith.constant 2 : i32
      %parallel_loop3A_66 = arith.index_cast %parallel_loop3A_65 : i32 to index
      %parallel_loop3A_67 = arith.index_cast %parallel_loop3A_64 : i32 to index
      %parallel_loop3A_68 = tpu.vector_load %arg4[%parallel_loop3A_66, %parallel_loop3A_67] {strides = array<i32>} : memref<4x4096xi32, #tpu.memory_space<vmem>>, vector<16xi32>,
      %parallel_loop3A_69 = arith.addi %mul3A_12, %parallel_loop3A_68 : vector<16xi32>
      tpu.vector_store_idx %arg8[%parallel_loop3A_69], %broadcast_in_dim3A_13 {add = true} : memref<1040xi32, #tpu.memory_space<vmem>>[vector<16xi32>], vector<16xi32>,
      %parallel_loop3A_70 = arith.constant 16 : i32
      %parallel_loop3A_71 = arith.muli %parallel_loop3A_48, %parallel_loop3A_70 : i32
      %parallel_loop3A_72 = arith.constant 3 : i32
      %parallel_loop3A_73 = arith.index_cast %parallel_loop3A_72 : i32 to index
      %parallel_loop3A_74 = arith.index_cast %parallel_loop3A_71 : i32 to index
      %parallel_loop3A_75 = tpu.vector_load %arg4[%parallel_loop3A_73, %parallel_loop3A_74] {strides = array<i32>} : memref<4x4096xi32, #tpu.memory_space<vmem>>, vector<16xi32>,
      %parallel_loop3A_76 = arith.addi %mul3A_12, %parallel_loop3A_75 : vector<16xi32>
      tpu.vector_store_idx %arg9[%parallel_loop3A_76], %broadcast_in_dim3A_13 {add = true} : memref<1040xi32, #tpu.memory_space<vmem>>[vector<16xi32>], vector<16xi32>,
    } {sc.loop_unroll_factor = 4 : i64, sc.parallel_access}
    %dma_wait3A_33 = arith.constant 4096 : i32
    %dma_wait3A_34 = tpu.memref_slice %arg2[%mul3A_2, %dma_wait3A_33] : memref<128x8192xi32, #tpu.memory_space<hbm>> -> memref<4x4096xi32, #tpu.memory_space<hbm>>
    %dma_wait3A_35 = arith.constant 4096 : i32
    %dma_wait3A_36 = tpu.memref_slice %arg2[%mul3A_2, %dma_wait3A_35] : memref<128x8192xi32, #tpu.memory_space<hbm>> -> memref<4x4096xi32, #tpu.memory_space<hbm>>
    tpu.wait_dma2 semaphore(%arg11 : memref<!tpu.dma_semaphore, #tpu.memory_space<semaphore_mem>>) src(%dma_wait3A_36 : memref<4x4096xi32, #tpu.memory_space<hbm>>) dst(%arg5 : memref<4x4096xi32, #tpu.memory_space<vmem>>)
    %parallel_loop3A_37 = arith.constant 0 : i32
    %parallel_loop3A_38 = arith.constant 256 : i32
    %parallel_loop3A_39 = arith.constant 1 : i32
    scf.for %parallel_loop3A_48 = %parallel_loop3A_37 to %parallel_loop3A_38 step %parallel_loop3A_39  : i32 {
      %parallel_loop3A_49 = arith.constant 16 : i32
      %parallel_loop3A_50 = arith.muli %parallel_loop3A_48, %parallel_loop3A_49 : i32
      %parallel_loop3A_51 = arith.constant 0 : i32
      %parallel_loop3A_52 = arith.index_cast %parallel_loop3A_51 : i32 to index
      %parallel_loop3A_53 = arith.index_cast %parallel_loop3A_50 : i32 to index
      %parallel_loop3A_54 = tpu.vector_load %arg5[%parallel_loop3A_52, %parallel_loop3A_53] {strides = array<i32>} : memref<4x4096xi32, #tpu.memory_space<vmem>>, vector<16xi32>,
      %parallel_loop3A_55 = arith.addi %mul3A_12, %parallel_loop3A_54 : vector<16xi32>
      tpu.vector_store_idx %arg6[%parallel_loop3A_55], %broadcast_in_dim3A_13 {add = true} : memref<1040xi32, #tpu.memory_space<vmem>>[vector<16xi32>], vector<16xi32>,
      %parallel_loop3A_56 = arith.constant 16 : i32
      %parallel_loop3A_57 = arith.muli %parallel_loop3A_48, %parallel_loop3A_56 : i32
      %parallel_loop3A_58 = arith.constant 1 : i32
      %parallel_loop3A_59 = arith.index_cast %parallel_loop3A_58 : i32 to index
      %parallel_loop3A_60 = arith.index_cast %parallel_loop3A_57 : i32 to index
      %parallel_loop3A_61 = tpu.vector_load %arg5[%parallel_loop3A_59, %parallel_loop3A_60] {strides = array<i32>} : memref<4x4096xi32, #tpu.memory_space<vmem>>, vector<16xi32>,
      %parallel_loop3A_62 = arith.addi %mul3A_12, %parallel_loop3A_61 : vector<16xi32>
      tpu.vector_store_idx %arg7[%parallel_loop3A_62], %broadcast_in_dim3A_13 {add = true} : memref<1040xi32, #tpu.memory_space<vmem>>[vector<16xi32>], vector<16xi32>,
      %parallel_loop3A_63 = arith.constant 16 : i32
      %parallel_loop3A_64 = arith.muli %parallel_loop3A_48, %parallel_loop3A_63 : i32
      %parallel_loop3A_65 = arith.constant 2 : i32
      %parallel_loop3A_66 = arith.index_cast %parallel_loop3A_65 : i32 to index
      %parallel_loop3A_67 = arith.index_cast %parallel_loop3A_64 : i32 to index
      %parallel_loop3A_68 = tpu.vector_load %arg5[%parallel_loop3A_66, %parallel_loop3A_67] {strides = array<i32>} : memref<4x4096xi32, #tpu.memory_space<vmem>>, vector<16xi32>,
      %parallel_loop3A_69 = arith.addi %mul3A_12, %parallel_loop3A_68 : vector<16xi32>
      tpu.vector_store_idx %arg8[%parallel_loop3A_69], %broadcast_in_dim3A_13 {add = true} : memref<1040xi32, #tpu.memory_space<vmem>>[vector<16xi32>], vector<16xi32>,
      %parallel_loop3A_70 = arith.constant 16 : i32
      %parallel_loop3A_71 = arith.muli %parallel_loop3A_48, %parallel_loop3A_70 : i32
      %parallel_loop3A_72 = arith.constant 3 : i32
      %parallel_loop3A_73 = arith.index_cast %parallel_loop3A_72 : i32 to index
      %parallel_loop3A_74 = arith.index_cast %parallel_loop3A_71 : i32 to index
      %parallel_loop3A_75 = tpu.vector_load %arg5[%parallel_loop3A_73, %parallel_loop3A_74] {strides = array<i32>} : memref<4x4096xi32, #tpu.memory_space<vmem>>, vector<16xi32>,
      %parallel_loop3A_76 = arith.addi %mul3A_12, %parallel_loop3A_75 : vector<16xi32>
      tpu.vector_store_idx %arg9[%parallel_loop3A_76], %broadcast_in_dim3A_13 {add = true} : memref<1040xi32, #tpu.memory_space<vmem>>[vector<16xi32>], vector<16xi32>,
    } {sc.loop_unroll_factor = 4 : i64, sc.parallel_access}
    %add3A_40 = arith.constant 0 : i32
    %add3A_41 = arith.addi %mul3A_2, %add3A_40 : i32
    "tpu.region"() ({
      %run_scoped3A = tpu.sem_alloc : memref<!tpu.dma_semaphore, #tpu.memory_space<semaphore_mem>>
      %dma_start3A_48 = arith.constant 0 : i32
      %dma_start3A_49 = tpu.memref_slice %arg3[%add3A_41, %dma_start3A_48] : memref<128x1040xi32, #tpu.memory_space<hbm>> -> memref<1x1040xi32, #tpu.memory_space<hbm>>
      %dma_start3A_50 = tpu.memref_squeeze %dma_start3A_49 : memref<1x1040xi32, #tpu.memory_space<hbm>> -> memref<1040xi32, #tpu.memory_space<hbm>>
      %dma_start3A_51 = arith.constant 0 : i32
      %dma_start3A_52 = tpu.memref_slice %arg3[%add3A_41, %dma_start3A_51] : memref<128x1040xi32, #tpu.memory_space<hbm>> -> memref<1x1040xi32, #tpu.memory_space<hbm>>
      %dma_start3A_53 = tpu.memref_squeeze %dma_start3A_52 : memref<1x1040xi32, #tpu.memory_space<hbm>> -> memref<1040xi32, #tpu.memory_space<hbm>>
      tpu.enqueue_dma source(%arg6 : memref<1040xi32, #tpu.memory_space<vmem>>) target(%dma_start3A_53 : memref<1040xi32, #tpu.memory_space<hbm>>) target_semaphore(%run_scoped3A : memref<!tpu.dma_semaphore, #tpu.memory_space<semaphore_mem>>)
      %dma_wait3A_54 = arith.constant 0 : i32
      %dma_wait3A_55 = tpu.memref_slice %arg3[%add3A_41, %dma_wait3A_54] : memref<128x1040xi32, #tpu.memory_space<hbm>> -> memref<1x1040xi32, #tpu.memory_space<hbm>>
      %dma_wait3A_56 = tpu.memref_squeeze %dma_wait3A_55 : memref<1x1040xi32, #tpu.memory_space<hbm>> -> memref<1040xi32, #tpu.memory_space<hbm>>
      %dma_wait3A_57 = arith.constant 0 : i32
      %dma_wait3A_58 = tpu.memref_slice %arg3[%add3A_41, %dma_wait3A_57] : memref<128x1040xi32, #tpu.memory_space<hbm>> -> memref<1x1040xi32, #tpu.memory_space<hbm>>
      %dma_wait3A_59 = tpu.memref_squeeze %dma_wait3A_58 : memref<1x1040xi32, #tpu.memory_space<hbm>> -> memref<1040xi32, #tpu.memory_space<hbm>>
      tpu.wait_dma2 semaphore(%run_scoped3A : memref<!tpu.dma_semaphore, #tpu.memory_space<semaphore_mem>>) src(%arg6 : memref<1040xi32, #tpu.memory_space<vmem>>) dst(%dma_wait3A_59 : memref<1040xi32, #tpu.memory_space<hbm>>)
      tpu.yield
    }) : () -> ()
    %add3A_42 = arith.constant 1 : i32
    %add3A_43 = arith.addi %mul3A_2, %add3A_42 : i32
    "tpu.region"() ({
      %run_scoped3A = tpu.sem_alloc : memref<!tpu.dma_semaphore, #tpu.memory_space<semaphore_mem>>
      %dma_start3A_48 = arith.constant 0 : i32
      %dma_start3A_49 = tpu.memref_slice %arg3[%add3A_43, %dma_start3A_48] : memref<128x1040xi32, #tpu.memory_space<hbm>> -> memref<1x1040xi32, #tpu.memory_space<hbm>>
      %dma_start3A_50 = tpu.memref_squeeze %dma_start3A_49 : memref<1x1040xi32, #tpu.memory_space<hbm>> -> memref<1040xi32, #tpu.memory_space<hbm>>
      %dma_start3A_51 = arith.constant 0 : i32
      %dma_start3A_52 = tpu.memref_slice %arg3[%add3A_43, %dma_start3A_51] : memref<128x1040xi32, #tpu.memory_space<hbm>> -> memref<1x1040xi32, #tpu.memory_space<hbm>>
      %dma_start3A_53 = tpu.memref_squeeze %dma_start3A_52 : memref<1x1040xi32, #tpu.memory_space<hbm>> -> memref<1040xi32, #tpu.memory_space<hbm>>
      tpu.enqueue_dma source(%arg7 : memref<1040xi32, #tpu.memory_space<vmem>>) target(%dma_start3A_53 : memref<1040xi32, #tpu.memory_space<hbm>>) target_semaphore(%run_scoped3A : memref<!tpu.dma_semaphore, #tpu.memory_space<semaphore_mem>>)
      %dma_wait3A_54 = arith.constant 0 : i32
      %dma_wait3A_55 = tpu.memref_slice %arg3[%add3A_43, %dma_wait3A_54] : memref<128x1040xi32, #tpu.memory_space<hbm>> -> memref<1x1040xi32, #tpu.memory_space<hbm>>
      %dma_wait3A_56 = tpu.memref_squeeze %dma_wait3A_55 : memref<1x1040xi32, #tpu.memory_space<hbm>> -> memref<1040xi32, #tpu.memory_space<hbm>>
      %dma_wait3A_57 = arith.constant 0 : i32
      %dma_wait3A_58 = tpu.memref_slice %arg3[%add3A_43, %dma_wait3A_57] : memref<128x1040xi32, #tpu.memory_space<hbm>> -> memref<1x1040xi32, #tpu.memory_space<hbm>>
      %dma_wait3A_59 = tpu.memref_squeeze %dma_wait3A_58 : memref<1x1040xi32, #tpu.memory_space<hbm>> -> memref<1040xi32, #tpu.memory_space<hbm>>
      tpu.wait_dma2 semaphore(%run_scoped3A : memref<!tpu.dma_semaphore, #tpu.memory_space<semaphore_mem>>) src(%arg7 : memref<1040xi32, #tpu.memory_space<vmem>>) dst(%dma_wait3A_59 : memref<1040xi32, #tpu.memory_space<hbm>>)
      tpu.yield
    }) : () -> ()
    %add3A_44 = arith.constant 2 : i32
    %add3A_45 = arith.addi %mul3A_2, %add3A_44 : i32
    "tpu.region"() ({
      %run_scoped3A = tpu.sem_alloc : memref<!tpu.dma_semaphore, #tpu.memory_space<semaphore_mem>>
      %dma_start3A_48 = arith.constant 0 : i32
      %dma_start3A_49 = tpu.memref_slice %arg3[%add3A_45, %dma_start3A_48] : memref<128x1040xi32, #tpu.memory_space<hbm>> -> memref<1x1040xi32, #tpu.memory_space<hbm>>
      %dma_start3A_50 = tpu.memref_squeeze %dma_start3A_49 : memref<1x1040xi32, #tpu.memory_space<hbm>> -> memref<1040xi32, #tpu.memory_space<hbm>>
      %dma_start3A_51 = arith.constant 0 : i32
      %dma_start3A_52 = tpu.memref_slice %arg3[%add3A_45, %dma_start3A_51] : memref<128x1040xi32, #tpu.memory_space<hbm>> -> memref<1x1040xi32, #tpu.memory_space<hbm>>
      %dma_start3A_53 = tpu.memref_squeeze %dma_start3A_52 : memref<1x1040xi32, #tpu.memory_space<hbm>> -> memref<1040xi32, #tpu.memory_space<hbm>>
      tpu.enqueue_dma source(%arg8 : memref<1040xi32, #tpu.memory_space<vmem>>) target(%dma_start3A_53 : memref<1040xi32, #tpu.memory_space<hbm>>) target_semaphore(%run_scoped3A : memref<!tpu.dma_semaphore, #tpu.memory_space<semaphore_mem>>)
      %dma_wait3A_54 = arith.constant 0 : i32
      %dma_wait3A_55 = tpu.memref_slice %arg3[%add3A_45, %dma_wait3A_54] : memref<128x1040xi32, #tpu.memory_space<hbm>> -> memref<1x1040xi32, #tpu.memory_space<hbm>>
      %dma_wait3A_56 = tpu.memref_squeeze %dma_wait3A_55 : memref<1x1040xi32, #tpu.memory_space<hbm>> -> memref<1040xi32, #tpu.memory_space<hbm>>
      %dma_wait3A_57 = arith.constant 0 : i32
      %dma_wait3A_58 = tpu.memref_slice %arg3[%add3A_45, %dma_wait3A_57] : memref<128x1040xi32, #tpu.memory_space<hbm>> -> memref<1x1040xi32, #tpu.memory_space<hbm>>
      %dma_wait3A_59 = tpu.memref_squeeze %dma_wait3A_58 : memref<1x1040xi32, #tpu.memory_space<hbm>> -> memref<1040xi32, #tpu.memory_space<hbm>>
      tpu.wait_dma2 semaphore(%run_scoped3A : memref<!tpu.dma_semaphore, #tpu.memory_space<semaphore_mem>>) src(%arg8 : memref<1040xi32, #tpu.memory_space<vmem>>) dst(%dma_wait3A_59 : memref<1040xi32, #tpu.memory_space<hbm>>)
      tpu.yield
    }) : () -> ()
    %add3A_46 = arith.constant 3 : i32
    %add3A_47 = arith.addi %mul3A_2, %add3A_46 : i32
    "tpu.region"() ({
      %run_scoped3A = tpu.sem_alloc : memref<!tpu.dma_semaphore, #tpu.memory_space<semaphore_mem>>
      %dma_start3A_48 = arith.constant 0 : i32
      %dma_start3A_49 = tpu.memref_slice %arg3[%add3A_47, %dma_start3A_48] : memref<128x1040xi32, #tpu.memory_space<hbm>> -> memref<1x1040xi32, #tpu.memory_space<hbm>>
      %dma_start3A_50 = tpu.memref_squeeze %dma_start3A_49 : memref<1x1040xi32, #tpu.memory_space<hbm>> -> memref<1040xi32, #tpu.memory_space<hbm>>
      %dma_start3A_51 = arith.constant 0 : i32
      %dma_start3A_52 = tpu.memref_slice %arg3[%add3A_47, %dma_start3A_51] : memref<128x1040xi32, #tpu.memory_space<hbm>> -> memref<1x1040xi32, #tpu.memory_space<hbm>>
      %dma_start3A_53 = tpu.memref_squeeze %dma_start3A_52 : memref<1x1040xi32, #tpu.memory_space<hbm>> -> memref<1040xi32, #tpu.memory_space<hbm>>
      tpu.enqueue_dma source(%arg9 : memref<1040xi32, #tpu.memory_space<vmem>>) target(%dma_start3A_53 : memref<1040xi32, #tpu.memory_space<hbm>>) target_semaphore(%run_scoped3A : memref<!tpu.dma_semaphore, #tpu.memory_space<semaphore_mem>>)
      %dma_wait3A_54 = arith.constant 0 : i32
      %dma_wait3A_55 = tpu.memref_slice %arg3[%add3A_47, %dma_wait3A_54] : memref<128x1040xi32, #tpu.memory_space<hbm>> -> memref<1x1040xi32, #tpu.memory_space<hbm>>
      %dma_wait3A_56 = tpu.memref_squeeze %dma_wait3A_55 : memref<1x1040xi32, #tpu.memory_space<hbm>> -> memref<1040xi32, #tpu.memory_space<hbm>>
      %dma_wait3A_57 = arith.constant 0 : i32
      %dma_wait3A_58 = tpu.memref_slice %arg3[%add3A_47, %dma_wait3A_57] : memref<128x1040xi32, #tpu.memory_space<hbm>> -> memref<1x1040xi32, #tpu.memory_space<hbm>>
      %dma_wait3A_59 = tpu.memref_squeeze %dma_wait3A_58 : memref<1x1040xi32, #tpu.memory_space<hbm>> -> memref<1040xi32, #tpu.memory_space<hbm>>
      tpu.wait_dma2 semaphore(%run_scoped3A : memref<!tpu.dma_semaphore, #tpu.memory_space<semaphore_mem>>) src(%arg9 : memref<1040xi32, #tpu.memory_space<vmem>>) dst(%dma_wait3A_59 : memref<1040xi32, #tpu.memory_space<hbm>>)
      tpu.yield
    }) : () -> ()
    return
  }
}

module attributes {stable_mosaic.version = 14 : i64} {
  func.func @_post_body(%arg0: i32, %arg1: memref<128x1040xi32, #tpu.memory_space<vmem>>, %arg2: memref<64x64xf32, #tpu.memory_space<vmem>>, %arg3: memref<128x64xf32, #tpu.memory_space<vmem>>, %arg4: memref<128x64xf32, #tpu.memory_space<vmem>>, %arg5: memref<64x64xf32, #tpu.memory_space<vmem>>, %arg6: memref<64x64xf32, #tpu.memory_space<vmem>>, %arg7: memref<1x64xf32, #tpu.memory_space<vmem>>, %arg8: memref<128x64xf32, #tpu.memory_space<vmem>>) attributes {dimension_semantics = [#tpu.dimension_semantics<arbitrary>], iteration_bounds = array<i64: 1>, scalar_prefetch = 0 : i64, scratch_operands = 0 : i64, tpu.core_type = #tpu.core_type<tc>, window_params = [{pipeline_mode = #tpu.pipeline_mode<synchronous>, transform_indices = @transform_0, window_bounds = array<i64: 128, 1040>}, {pipeline_mode = #tpu.pipeline_mode<synchronous>, transform_indices = @transform_1, window_bounds = array<i64: 64, 64>}, {pipeline_mode = #tpu.pipeline_mode<synchronous>, transform_indices = @transform_2, window_bounds = array<i64: 128, 64>}, {pipeline_mode = #tpu.pipeline_mode<synchronous>, transform_indices = @transform_3, window_bounds = array<i64: 128, 64>}, {pipeline_mode = #tpu.pipeline_mode<synchronous>, transform_indices = @transform_4, window_bounds = array<i64: 64, 64>}, {pipeline_mode = #tpu.pipeline_mode<synchronous>, transform_indices = @transform_5, window_bounds = array<i64: 64, 64>}, {pipeline_mode = #tpu.pipeline_mode<synchronous>, transform_indices = @transform_6, window_bounds = array<i64: 1, 64>}, {pipeline_mode = #tpu.pipeline_mode<synchronous>, transform_indices = @transform_7, window_bounds = array<i64: 128, 64>}]} {
    %get3A = arith.constant 0 : index
    %get3A_0 = arith.constant 0 : index
    %get3A_1 = vector.load %arg1[%get3A, %get3A_0] : memref<128x1040xi32, #tpu.memory_space<vmem>>, vector<128x1040xi32>
    %slice3A = vector.extract_strided_slice %get3A_1 {offsets = [0, 0], sizes = [128, 64], strides = [1, 1]} : vector<128x1040xi32> to vector<128x64xi32>
    %slice3A_2 = vector.extract_strided_slice %get3A_1 {offsets = [0, 65], sizes = [128, 64], strides = [1, 1]} : vector<128x1040xi32> to vector<128x64xi32>
    %add3A = arith.addi %slice3A, %slice3A_2 : vector<128x64xi32>
    %slice3A_3 = vector.extract_strided_slice %get3A_1 {offsets = [0, 130], sizes = [128, 64], strides = [1, 1]} : vector<128x1040xi32> to vector<128x64xi32>
    %add3A_4 = arith.addi %add3A, %slice3A_3 : vector<128x64xi32>
    %slice3A_5 = vector.extract_strided_slice %get3A_1 {offsets = [0, 195], sizes = [128, 64], strides = [1, 1]} : vector<128x1040xi32> to vector<128x64xi32>
    %add3A_6 = arith.addi %add3A_4, %slice3A_5 : vector<128x64xi32>
    %slice3A_7 = vector.extract_strided_slice %get3A_1 {offsets = [0, 260], sizes = [128, 64], strides = [1, 1]} : vector<128x1040xi32> to vector<128x64xi32>
    %add3A_8 = arith.addi %add3A_6, %slice3A_7 : vector<128x64xi32>
    %slice3A_9 = vector.extract_strided_slice %get3A_1 {offsets = [0, 325], sizes = [128, 64], strides = [1, 1]} : vector<128x1040xi32> to vector<128x64xi32>
    %add3A_10 = arith.addi %add3A_8, %slice3A_9 : vector<128x64xi32>
    %slice3A_11 = vector.extract_strided_slice %get3A_1 {offsets = [0, 390], sizes = [128, 64], strides = [1, 1]} : vector<128x1040xi32> to vector<128x64xi32>
    %add3A_12 = arith.addi %add3A_10, %slice3A_11 : vector<128x64xi32>
    %slice3A_13 = vector.extract_strided_slice %get3A_1 {offsets = [0, 455], sizes = [128, 64], strides = [1, 1]} : vector<128x1040xi32> to vector<128x64xi32>
    %add3A_14 = arith.addi %add3A_12, %slice3A_13 : vector<128x64xi32>
    %slice3A_15 = vector.extract_strided_slice %get3A_1 {offsets = [0, 520], sizes = [128, 64], strides = [1, 1]} : vector<128x1040xi32> to vector<128x64xi32>
    %add3A_16 = arith.addi %add3A_14, %slice3A_15 : vector<128x64xi32>
    %slice3A_17 = vector.extract_strided_slice %get3A_1 {offsets = [0, 585], sizes = [128, 64], strides = [1, 1]} : vector<128x1040xi32> to vector<128x64xi32>
    %add3A_18 = arith.addi %add3A_16, %slice3A_17 : vector<128x64xi32>
    %slice3A_19 = vector.extract_strided_slice %get3A_1 {offsets = [0, 650], sizes = [128, 64], strides = [1, 1]} : vector<128x1040xi32> to vector<128x64xi32>
    %add3A_20 = arith.addi %add3A_18, %slice3A_19 : vector<128x64xi32>
    %slice3A_21 = vector.extract_strided_slice %get3A_1 {offsets = [0, 715], sizes = [128, 64], strides = [1, 1]} : vector<128x1040xi32> to vector<128x64xi32>
    %add3A_22 = arith.addi %add3A_20, %slice3A_21 : vector<128x64xi32>
    %slice3A_23 = vector.extract_strided_slice %get3A_1 {offsets = [0, 780], sizes = [128, 64], strides = [1, 1]} : vector<128x1040xi32> to vector<128x64xi32>
    %add3A_24 = arith.addi %add3A_22, %slice3A_23 : vector<128x64xi32>
    %slice3A_25 = vector.extract_strided_slice %get3A_1 {offsets = [0, 845], sizes = [128, 64], strides = [1, 1]} : vector<128x1040xi32> to vector<128x64xi32>
    %add3A_26 = arith.addi %add3A_24, %slice3A_25 : vector<128x64xi32>
    %slice3A_27 = vector.extract_strided_slice %get3A_1 {offsets = [0, 910], sizes = [128, 64], strides = [1, 1]} : vector<128x1040xi32> to vector<128x64xi32>
    %add3A_28 = arith.addi %add3A_26, %slice3A_27 : vector<128x64xi32>
    %slice3A_29 = vector.extract_strided_slice %get3A_1 {offsets = [0, 975], sizes = [128, 64], strides = [1, 1]} : vector<128x1040xi32> to vector<128x64xi32>
    %add3A_30 = arith.addi %add3A_28, %slice3A_29 : vector<128x64xi32>
    %convert_element_type3A = arith.sitofp %add3A_30 : vector<128x64xi32> to vector<128x64xf32>
    %get3A_31 = arith.constant 0 : index
    %get3A_32 = arith.constant 0 : index
    %get3A_33 = vector.load %arg4[%get3A_31, %get3A_32] : memref<128x64xf32, #tpu.memory_space<vmem>>, vector<128x64xf32>
    %sub3A = arith.subf %convert_element_type3A, %get3A_33 : vector<128x64xf32>
    %get3A_34 = arith.constant 0 : index
    %get3A_35 = arith.constant 0 : index
    %get3A_36 = vector.load %arg2[%get3A_34, %get3A_35] : memref<64x64xf32, #tpu.memory_space<vmem>>, vector<64x64xf32>
    %dot_general3A = arith.constant dense<0.000000e+00> : vector<128x64xf32>
    %dot_general3A_37 = tpu.matmul %sub3A, %get3A_36, %dot_general3A {dimension_numbers = #tpu.dot_dimension_numbers<[1], [0], [0], [1], [0, 0, 1, 1], [], []>, transpose_lhs_hint = false} : vector<128x64xf32>, vector<64x64xf32>, vector<128x64xf32> -> vector<128x64xf32>
    %sub3A_38 = arith.constant 6.000000e+00 : f32
    %sub3A_39 = vector.broadcast %sub3A_38 : f32 to vector<128x64xf32>
    %sub3A_40 = arith.subf %sub3A_39, %dot_general3A_37 : vector<128x64xf32>
    %max3A = arith.constant 0.000000e+00 : f32
    %max3A_41 = vector.broadcast %max3A : f32 to vector<128x64xf32>
    %max3A_42 = arith.maximumf %sub3A_40, %max3A_41 : vector<128x64xf32>
    %min3A = arith.minimumf %max3A_42, %sub3A : vector<128x64xf32>
    %gt3A = arith.constant 0.000000e+00 : f32
    %gt3A_43 = vector.broadcast %gt3A : f32 to vector<128x64xf32>
    %gt3A_44 = arith.cmpf ogt, %min3A, %gt3A_43 : vector<128x64xf32>
    %get3A_45 = arith.constant 0 : index
    %get3A_46 = arith.constant 0 : index
    %get3A_47 = vector.load %arg3[%get3A_45, %get3A_46] : memref<128x64xf32, #tpu.memory_space<vmem>>, vector<128x64xf32>
    %jit3A = arith.constant -1.000000e+30 : f32
    %broadcast_in_dim3A = vector.broadcast %jit3A : f32 to vector<128x64xf32>
    %select_n3A = arith.select %gt3A_44, %get3A_47, %broadcast_in_dim3A : vector<128x64xi1>, vector<128x64xf32>
    %reduce_max3A = arith.constant dense<0xFF800000> : vector<128xf32>
    %reduce_max3A_48 = vector.multi_reduction <maximumf>, %select_n3A, %reduce_max3A [1] : vector<128x64xf32> to vector<128xf32>
    %broadcast_in_dim3A_49 = vector.shape_cast %reduce_max3A_48 : vector<128xf32> to vector<128x1xf32>
    %sub3A_50 = vector.broadcast %broadcast_in_dim3A_49 : vector<128x1xf32> to vector<128x64xf32>
    %sub3A_51 = arith.subf %select_n3A, %sub3A_50 : vector<128x64xf32>
    %exp3A = math.exp %sub3A_51 : vector<128x64xf32>
    %mul3A = arith.mulf %min3A, %exp3A : vector<128x64xf32>
    %reduce_sum3A = arith.constant dense<0.000000e+00> : vector<128xf32>
    %reduce_sum3A_52 = vector.multi_reduction <add>, %mul3A, %reduce_sum3A [1] : vector<128x64xf32> to vector<128xf32>
    %broadcast_in_dim3A_53 = vector.shape_cast %reduce_sum3A_52 : vector<128xf32> to vector<128x1xf32>
    %div3A = vector.broadcast %broadcast_in_dim3A_53 : vector<128x1xf32> to vector<128x64xf32>
    %div3A_54 = arith.divf %mul3A, %div3A : vector<128x64xf32>
    %get3A_55 = arith.constant 0 : index
    %get3A_56 = arith.constant 0 : index
    %get3A_57 = vector.load %arg5[%get3A_55, %get3A_56] : memref<64x64xf32, #tpu.memory_space<vmem>>, vector<64x64xf32>
    %dot_general3A_58 = arith.constant dense<0.000000e+00> : vector<128x64xf32>
    %dot_general3A_59 = tpu.matmul %div3A_54, %get3A_57, %dot_general3A_58 {dimension_numbers = #tpu.dot_dimension_numbers<[1], [0], [0], [1], [0, 0, 1, 1], [], []>, transpose_lhs_hint = false} : vector<128x64xf32>, vector<64x64xf32>, vector<128x64xf32> -> vector<128x64xf32>
    %get3A_60 = arith.constant 0 : index
    %get3A_61 = arith.constant 0 : index
    %get3A_62 = vector.load %arg6[%get3A_60, %get3A_61] : memref<64x64xf32, #tpu.memory_space<vmem>>, vector<64x64xf32>
    %dot_general3A_63 = arith.constant dense<0.000000e+00> : vector<128x64xf32>
    %dot_general3A_64 = tpu.matmul %dot_general3A_59, %get3A_62, %dot_general3A_63 {dimension_numbers = #tpu.dot_dimension_numbers<[1], [0], [0], [1], [0, 0, 1, 1], [], []>, transpose_lhs_hint = false} : vector<128x64xf32>, vector<64x64xf32>, vector<128x64xf32> -> vector<128x64xf32>
    %get3A_65 = arith.constant 0 : index
    %get3A_66 = arith.constant 0 : index
    %get3A_67 = vector.load %arg7[%get3A_65, %get3A_66] : memref<1x64xf32, #tpu.memory_space<vmem>>, vector<1x64xf32>
    %add3A_68 = vector.broadcast %get3A_67 : vector<1x64xf32> to vector<128x64xf32>
    %add3A_69 = arith.addf %dot_general3A_64, %add3A_68 : vector<128x64xf32>
    %swap3A = arith.constant 0 : index
    %swap3A_70 = arith.constant 0 : index
    %swap3A_71 = vector.load %arg8[%swap3A, %swap3A_70] : memref<128x64xf32, #tpu.memory_space<vmem>>, vector<128x64xf32>
    tpu.vector_store %arg8[%swap3A, %swap3A_70], %add3A_69 {strides = array<i32>} : memref<128x64xf32, #tpu.memory_space<vmem>>, vector<128x64xf32>,
    return
  }
  func.func @transform_0(%arg0: i32) -> (i32, i32) {
    %c0_i32 = arith.constant 0 : i32
    %c0_i32_0 = arith.constant 0 : i32
    %c0_i32_1 = arith.constant 0 : i32
    return %c0_i32, %c0_i32_0 : i32, i32
  }
  func.func @transform_1(%arg0: i32) -> (i32, i32) {
    %c0_i32 = arith.constant 0 : i32
    %c0_i32_0 = arith.constant 0 : i32
    %c0_i32_1 = arith.constant 0 : i32
    return %c0_i32, %c0_i32_0 : i32, i32
  }
  func.func @transform_2(%arg0: i32) -> (i32, i32) {
    %c0_i32 = arith.constant 0 : i32
    %c0_i32_0 = arith.constant 0 : i32
    %c0_i32_1 = arith.constant 0 : i32
    return %c0_i32, %c0_i32_0 : i32, i32
  }
  func.func @transform_3(%arg0: i32) -> (i32, i32) {
    %c0_i32 = arith.constant 0 : i32
    %c0_i32_0 = arith.constant 0 : i32
    %c0_i32_1 = arith.constant 0 : i32
    return %c0_i32, %c0_i32_0 : i32, i32
  }
  func.func @transform_4(%arg0: i32) -> (i32, i32) {
    %c0_i32 = arith.constant 0 : i32
    %c0_i32_0 = arith.constant 0 : i32
    %c0_i32_1 = arith.constant 0 : i32
    return %c0_i32, %c0_i32_0 : i32, i32
  }
  func.func @transform_5(%arg0: i32) -> (i32, i32) {
    %c0_i32 = arith.constant 0 : i32
    %c0_i32_0 = arith.constant 0 : i32
    %c0_i32_1 = arith.constant 0 : i32
    return %c0_i32, %c0_i32_0 : i32, i32
  }
  func.func @transform_6(%arg0: i32) -> (i32, i32) {
    %c0_i32 = arith.constant 0 : i32
    %c0_i32_0 = arith.constant 0 : i32
    %c0_i32_1 = arith.constant 0 : i32
    return %c0_i32, %c0_i32_0 : i32, i32
  }
  func.func @transform_7(%arg0: i32) -> (i32, i32) {
    %c0_i32 = arith.constant 0 : i32
    %c0_i32_0 = arith.constant 0 : i32
    %c0_i32_1 = arith.constant 0 : i32
    return %c0_i32, %c0_i32_0 : i32, i32
  }
}

module attributes {stable_mosaic.version = 14 : i64} {
  func.func @_pre_body(%arg0: i32, %arg1: memref<128x128xi32, #tpu.memory_space<vmem>>, %arg2: memref<64x64xf32, #tpu.memory_space<vmem>>, %arg3: memref<64x128xf32, #tpu.memory_space<vmem>>, %arg4: memref<1x128xf32, #tpu.memory_space<vmem>>, %arg5: memref<128x64xf32, #tpu.memory_space<vmem>>, %arg6: memref<1x64xf32, #tpu.memory_space<vmem>>, %arg7: memref<1x64xf32, #tpu.memory_space<vmem>>, %arg8: memref<1x64xf32, #tpu.memory_space<vmem>>, %arg9: memref<64x64xf32, #tpu.memory_space<vmem>>, %arg10: memref<1x64xf32, #tpu.memory_space<vmem>>, %arg11: memref<64x64xf32, #tpu.memory_space<vmem>>, %arg12: memref<128x64xf32, #tpu.memory_space<vmem>>, %arg13: memref<128x64xf32, #tpu.memory_space<vmem>>, %arg14: memref<64x64xf32, #tpu.memory_space<vmem>>) attributes {dimension_semantics = [#tpu.dimension_semantics<arbitrary>], iteration_bounds = array<i64: 1>, scalar_prefetch = 0 : i64, scratch_operands = 0 : i64, tpu.core_type = #tpu.core_type<tc>, window_params = [{transform_indices = @transform_0, window_bounds = array<i64: 128, 128>}, {pipeline_mode = #tpu.pipeline_mode<synchronous>, transform_indices = @transform_1, window_bounds = array<i64: 64, 64>}, {pipeline_mode = #tpu.pipeline_mode<synchronous>, transform_indices = @transform_2, window_bounds = array<i64: 64, 128>}, {pipeline_mode = #tpu.pipeline_mode<synchronous>, transform_indices = @transform_3, window_bounds = array<i64: 1, 128>}, {pipeline_mode = #tpu.pipeline_mode<synchronous>, transform_indices = @transform_4, window_bounds = array<i64: 128, 64>}, {pipeline_mode = #tpu.pipeline_mode<synchronous>, transform_indices = @transform_5, window_bounds = array<i64: 1, 64>}, {pipeline_mode = #tpu.pipeline_mode<synchronous>, transform_indices = @transform_6, window_bounds = array<i64: 1, 64>}, {pipeline_mode = #tpu.pipeline_mode<synchronous>, transform_indices = @transform_7, window_bounds = array<i64: 1, 64>}, {pipeline_mode = #tpu.pipeline_mode<synchronous>, transform_indices = @transform_8, window_bounds = array<i64: 64, 64>}, {pipeline_mode = #tpu.pipeline_mode<synchronous>, transform_indices = @transform_9, window_bounds = array<i64: 1, 64>}, {pipeline_mode = #tpu.pipeline_mode<synchronous>, transform_indices = @transform_10, window_bounds = array<i64: 64, 64>}, {pipeline_mode = #tpu.pipeline_mode<synchronous>, transform_indices = @transform_11, window_bounds = array<i64: 128, 64>}, {pipeline_mode = #tpu.pipeline_mode<synchronous>, transform_indices = @transform_12, window_bounds = array<i64: 128, 64>}, {pipeline_mode = #tpu.pipeline_mode<synchronous>, transform_indices = @transform_13, window_bounds = array<i64: 64, 64>}]} {
    %get3A = arith.constant 0 : index
    %get3A_0 = arith.constant 0 : index
    %get3A_1 = vector.load %arg2[%get3A, %get3A_0] : memref<64x64xf32, #tpu.memory_space<vmem>>, vector<64x64xf32>
    %get3A_2 = arith.constant 0 : index
    %get3A_3 = arith.constant 0 : index
    %get3A_4 = vector.load %arg3[%get3A_2, %get3A_3] : memref<64x128xf32, #tpu.memory_space<vmem>>, vector<64x128xf32>
    %dot_general3A = arith.constant dense<0.000000e+00> : vector<64x128xf32>
    %dot_general3A_5 = tpu.matmul %get3A_1, %get3A_4, %dot_general3A {dimension_numbers = #tpu.dot_dimension_numbers<[1], [0], [0], [1], [0, 0, 1, 1], [], []>, transpose_lhs_hint = false} : vector<64x64xf32>, vector<64x128xf32>, vector<64x128xf32> -> vector<64x128xf32>
    %get3A_6 = arith.constant 0 : index
    %get3A_7 = arith.constant 0 : index
    %get3A_8 = vector.load %arg4[%get3A_6, %get3A_7] : memref<1x128xf32, #tpu.memory_space<vmem>>, vector<1x128xf32>
    %add3A = vector.broadcast %get3A_8 : vector<1x128xf32> to vector<64x128xf32>
    %add3A_9 = arith.addf %dot_general3A_5, %add3A : vector<64x128xf32>
    %max3A = arith.constant 0.000000e+00 : f32
    %max3A_10 = vector.broadcast %max3A : f32 to vector<64x128xf32>
    %max3A_11 = arith.maximumf %add3A_9, %max3A_10 : vector<64x128xf32>
    %get3A_12 = arith.constant 0 : index
    %get3A_13 = arith.constant 0 : index
    %get3A_14 = vector.load %arg5[%get3A_12, %get3A_13] : memref<128x64xf32, #tpu.memory_space<vmem>>, vector<128x64xf32>
    %dot_general3A_15 = arith.constant dense<0.000000e+00> : vector<64x64xf32>
    %dot_general3A_16 = tpu.matmul %max3A_11, %get3A_14, %dot_general3A_15 {dimension_numbers = #tpu.dot_dimension_numbers<[1], [0], [0], [1], [0, 0, 1, 1], [], []>, transpose_lhs_hint = false} : vector<64x128xf32>, vector<128x64xf32>, vector<64x64xf32> -> vector<64x64xf32>
    %get3A_17 = arith.constant 0 : index
    %get3A_18 = arith.constant 0 : index
    %get3A_19 = vector.load %arg6[%get3A_17, %get3A_18] : memref<1x64xf32, #tpu.memory_space<vmem>>, vector<1x64xf32>
    %add3A_20 = vector.broadcast %get3A_19 : vector<1x64xf32> to vector<64x64xf32>
    %add3A_21 = arith.addf %dot_general3A_16, %add3A_20 : vector<64x64xf32>
    %add3A_22 = arith.addf %get3A_1, %add3A_21 : vector<64x64xf32>
    %reduce_sum3A = arith.constant dense<0.000000e+00> : vector<64xf32>
    %reduce_sum3A_23 = vector.multi_reduction <add>, %add3A_22, %reduce_sum3A [1] : vector<64x64xf32> to vector<64xf32>
    %broadcast_in_dim3A = vector.shape_cast %reduce_sum3A_23 : vector<64xf32> to vector<64x1xf32>
    %div3A = arith.constant 6.400000e+01 : f32
    %div3A_24 = vector.broadcast %div3A : f32 to vector<64x1xf32>
    %div3A_25 = arith.divf %broadcast_in_dim3A, %div3A_24 : vector<64x1xf32>
    %sub3A = vector.broadcast %div3A_25 : vector<64x1xf32> to vector<64x64xf32>
    %sub3A_26 = arith.subf %add3A_22, %sub3A : vector<64x64xf32>
    %integer_pow3A = arith.mulf %sub3A_26, %sub3A_26 : vector<64x64xf32>
    %reduce_sum3A_27 = arith.constant dense<0.000000e+00> : vector<64xf32>
    %reduce_sum3A_28 = vector.multi_reduction <add>, %integer_pow3A, %reduce_sum3A_27 [1] : vector<64x64xf32> to vector<64xf32>
    %broadcast_in_dim3A_29 = vector.shape_cast %reduce_sum3A_28 : vector<64xf32> to vector<64x1xf32>
    %div3A_30 = arith.constant 6.400000e+01 : f32
    %div3A_31 = vector.broadcast %div3A_30 : f32 to vector<64x1xf32>
    %div3A_32 = arith.divf %broadcast_in_dim3A_29, %div3A_31 : vector<64x1xf32>
    %sub3A_33 = vector.broadcast %div3A_25 : vector<64x1xf32> to vector<64x64xf32>
    %sub3A_34 = arith.subf %add3A_22, %sub3A_33 : vector<64x64xf32>
    %add3A_35 = arith.constant 9.99999974E-6 : f32
    %add3A_36 = vector.broadcast %add3A_35 : f32 to vector<64x1xf32>
    %add3A_37 = arith.addf %div3A_32, %add3A_36 : vector<64x1xf32>
    %sqrt3A = math.sqrt %add3A_37 : vector<64x1xf32>
    %div3A_38 = vector.broadcast %sqrt3A : vector<64x1xf32> to vector<64x64xf32>
    %div3A_39 = arith.divf %sub3A_34, %div3A_38 : vector<64x64xf32>
    %get3A_40 = arith.constant 0 : index
    %get3A_41 = arith.constant 0 : index
    %get3A_42 = vector.load %arg7[%get3A_40, %get3A_41] : memref<1x64xf32, #tpu.memory_space<vmem>>, vector<1x64xf32>
    %mul3A = vector.broadcast %get3A_42 : vector<1x64xf32> to vector<64x64xf32>
    %mul3A_43 = arith.mulf %div3A_39, %mul3A : vector<64x64xf32>
    %get3A_44 = arith.constant 0 : index
    %get3A_45 = arith.constant 0 : index
    %get3A_46 = vector.load %arg8[%get3A_44, %get3A_45] : memref<1x64xf32, #tpu.memory_space<vmem>>, vector<1x64xf32>
    %add3A_47 = vector.broadcast %get3A_46 : vector<1x64xf32> to vector<64x64xf32>
    %add3A_48 = arith.addf %mul3A_43, %add3A_47 : vector<64x64xf32>
    %transpose3A = tpu.transpose %add3A_48, [1, 0] : vector<64x64xf32> -> vector<64x64xf32>
    %mul3A_49 = arith.mulf %add3A_48, %add3A_48 : vector<64x64xf32>
    %reduce_sum3A_50 = arith.constant dense<0.000000e+00> : vector<64xf32>
    %reduce_sum3A_51 = vector.multi_reduction <add>, %mul3A_49, %reduce_sum3A_50 [1] : vector<64x64xf32> to vector<64xf32>
    %broadcast_in_dim3A_52 = vector.shape_cast %reduce_sum3A_51 : vector<64xf32> to vector<64x1xf32>
    %mul3A_53 = arith.mulf %transpose3A, %transpose3A : vector<64x64xf32>
    %reduce_sum3A_54 = arith.constant dense<0.000000e+00> : vector<64xf32>
    %reduce_sum3A_55 = vector.multi_reduction <add>, %mul3A_53, %reduce_sum3A_54 [0] : vector<64x64xf32> to vector<64xf32>
    %broadcast_in_dim3A_56 = vector.shape_cast %reduce_sum3A_55 : vector<64xf32> to vector<1x64xf32>
    %gt3A = vector.broadcast %broadcast_in_dim3A_52 : vector<64x1xf32> to vector<64x64xf32>
    %gt3A_57 = vector.broadcast %broadcast_in_dim3A_56 : vector<1x64xf32> to vector<64x64xf32>
    %gt3A_58 = arith.cmpf ogt, %gt3A, %gt3A_57 : vector<64x64xf32>
    %convert_element_type3A = arith.extui %gt3A_58 : vector<64x64xi1> to vector<64x64xi32>
    %convert_element_type3A_59 = arith.sitofp %convert_element_type3A : vector<64x64xi32> to vector<64x64xf32>
    %swap3A = arith.constant 0 : index
    %swap3A_60 = arith.constant 0 : index
    %swap3A_61 = vector.load %arg11[%swap3A, %swap3A_60] : memref<64x64xf32, #tpu.memory_space<vmem>>, vector<64x64xf32>
    tpu.vector_store %arg11[%swap3A, %swap3A_60], %convert_element_type3A_59 {strides = array<i32>} : memref<64x64xf32, #tpu.memory_space<vmem>>, vector<64x64xf32>,
    %iota3A = tpu.iota {dimensions = array<i32: 1>} : vector<1x64xi32>
    %get3A_62 = arith.constant 0 : index
    %get3A_63 = arith.constant 125 : index
    %get3A_64 = vector.load %arg1[%get3A_62, %get3A_63] : memref<128x128xi32, #tpu.memory_space<vmem>>, vector<128x1xi32>
    %eq3A = vector.broadcast %get3A_64 : vector<128x1xi32> to vector<128x64xi32>
    %eq3A_65 = vector.broadcast %iota3A : vector<1x64xi32> to vector<128x64xi32>
    %eq3A_66 = arith.cmpi eq, %eq3A, %eq3A_65 : vector<128x64xi32>
    %convert_element_type3A_67 = arith.extui %eq3A_66 : vector<128x64xi1> to vector<128x64xi32>
    %convert_element_type3A_68 = arith.sitofp %convert_element_type3A_67 : vector<128x64xi32> to vector<128x64xf32>
    %get3A_69 = arith.constant 0 : index
    %get3A_70 = arith.constant 126 : index
    %get3A_71 = vector.load %arg1[%get3A_69, %get3A_70] : memref<128x128xi32, #tpu.memory_space<vmem>>, vector<128x1xi32>
    %eq3A_72 = vector.broadcast %get3A_71 : vector<128x1xi32> to vector<128x64xi32>
    %eq3A_73 = vector.broadcast %iota3A : vector<1x64xi32> to vector<128x64xi32>
    %eq3A_74 = arith.cmpi eq, %eq3A_72, %eq3A_73 : vector<128x64xi32>
    %convert_element_type3A_75 = arith.extui %eq3A_74 : vector<128x64xi1> to vector<128x64xi32>
    %convert_element_type3A_76 = arith.sitofp %convert_element_type3A_75 : vector<128x64xi32> to vector<128x64xf32>
    %get3A_77 = arith.constant 0 : index
    %get3A_78 = arith.constant 127 : index
    %get3A_79 = vector.load %arg1[%get3A_77, %get3A_78] : memref<128x128xi32, #tpu.memory_space<vmem>>, vector<128x1xi32>
    %eq3A_80 = vector.broadcast %get3A_79 : vector<128x1xi32> to vector<128x64xi32>
    %eq3A_81 = vector.broadcast %iota3A : vector<1x64xi32> to vector<128x64xi32>
    %eq3A_82 = arith.cmpi eq, %eq3A_80, %eq3A_81 : vector<128x64xi32>
    %convert_element_type3A_83 = arith.extui %eq3A_82 : vector<128x64xi1> to vector<128x64xi32>
    %convert_element_type3A_84 = arith.sitofp %convert_element_type3A_83 : vector<128x64xi32> to vector<128x64xf32>
    %add3A_85 = arith.addf %convert_element_type3A_68, %convert_element_type3A_76 : vector<128x64xf32>
    %add3A_86 = arith.addf %add3A_85, %convert_element_type3A_84 : vector<128x64xf32>
    %swap3A_87 = arith.constant 0 : index
    %swap3A_88 = arith.constant 0 : index
    %swap3A_89 = vector.load %arg13[%swap3A_87, %swap3A_88] : memref<128x64xf32, #tpu.memory_space<vmem>>, vector<128x64xf32>
    tpu.vector_store %arg13[%swap3A_87, %swap3A_88], %add3A_86 {strides = array<i32>} : memref<128x64xf32, #tpu.memory_space<vmem>>, vector<128x64xf32>,
    %dot_general3A_90 = arith.constant dense<0.000000e+00> : vector<128x64xf32>
    %dot_general3A_91 = tpu.matmul %convert_element_type3A_84, %add3A_48, %dot_general3A_90 {dimension_numbers = #tpu.dot_dimension_numbers<[1], [0], [0], [1], [0, 0, 1, 1], [], []>, transpose_lhs_hint = false} : vector<128x64xf32>, vector<64x64xf32>, vector<128x64xf32> -> vector<128x64xf32>
    %get3A_92 = arith.constant 0 : index
    %get3A_93 = arith.constant 0 : index
    %get3A_94 = vector.load %arg9[%get3A_92, %get3A_93] : memref<64x64xf32, #tpu.memory_space<vmem>>, vector<64x64xf32>
    %dot_general3A_95 = arith.constant dense<0.000000e+00> : vector<128x64xf32>
    %dot_general3A_96 = tpu.matmul %dot_general3A_91, %get3A_94, %dot_general3A_95 {dimension_numbers = #tpu.dot_dimension_numbers<[1], [0], [0], [1], [0, 0, 1, 1], [], []>, transpose_lhs_hint = false} : vector<128x64xf32>, vector<64x64xf32>, vector<128x64xf32> -> vector<128x64xf32>
    %get3A_97 = arith.constant 0 : index
    %get3A_98 = arith.constant 0 : index
    %get3A_99 = vector.load %arg10[%get3A_97, %get3A_98] : memref<1x64xf32, #tpu.memory_space<vmem>>, vector<1x64xf32>
    %add3A_100 = vector.broadcast %get3A_99 : vector<1x64xf32> to vector<128x64xf32>
    %add3A_101 = arith.addf %dot_general3A_96, %add3A_100 : vector<128x64xf32>
    %dot_general3A_102 = arith.constant dense<0.000000e+00> : vector<128x64xf32>
    %dot_general3A_103 = tpu.matmul %add3A_101, %transpose3A, %dot_general3A_102 {dimension_numbers = #tpu.dot_dimension_numbers<[1], [0], [0], [1], [0, 0, 1, 1], [], []>, transpose_lhs_hint = false} : vector<128x64xf32>, vector<64x64xf32>, vector<128x64xf32> -> vector<128x64xf32>
    %mul3A_104 = arith.constant 1.250000e-01 : f32
    %mul3A_105 = vector.broadcast %mul3A_104 : f32 to vector<128x64xf32>
    %mul3A_106 = arith.mulf %dot_general3A_103, %mul3A_105 : vector<128x64xf32>
    %swap3A_107 = arith.constant 0 : index
    %swap3A_108 = arith.constant 0 : index
    %swap3A_109 = vector.load %arg12[%swap3A_107, %swap3A_108] : memref<128x64xf32, #tpu.memory_space<vmem>>, vector<128x64xf32>
    tpu.vector_store %arg12[%swap3A_107, %swap3A_108], %mul3A_106 {strides = array<i32>} : memref<128x64xf32, #tpu.memory_space<vmem>>, vector<128x64xf32>,
    %swap3A_110 = arith.constant 0 : index
    %swap3A_111 = arith.constant 0 : index
    %swap3A_112 = vector.load %arg14[%swap3A_110, %swap3A_111] : memref<64x64xf32, #tpu.memory_space<vmem>>, vector<64x64xf32>
    tpu.vector_store %arg14[%swap3A_110, %swap3A_111], %add3A_48 {strides = array<i32>} : memref<64x64xf32, #tpu.memory_space<vmem>>, vector<64x64xf32>,
    return
  }
  func.func @transform_0(%arg0: i32) -> (i32, i32) {
    %c0_i32 = arith.constant 0 : i32
    %c63_i32 = arith.constant 63 : i32
    %c0_i32_0 = arith.constant 0 : i32
    return %c0_i32, %c63_i32 : i32, i32
  }
  func.func @transform_1(%arg0: i32) -> (i32, i32) {
    %c0_i32 = arith.constant 0 : i32
    %c0_i32_0 = arith.constant 0 : i32
    %c0_i32_1 = arith.constant 0 : i32
    return %c0_i32, %c0_i32_0 : i32, i32
  }
  func.func @transform_2(%arg0: i32) -> (i32, i32) {
    %c0_i32 = arith.constant 0 : i32
    %c0_i32_0 = arith.constant 0 : i32
    %c0_i32_1 = arith.constant 0 : i32
    return %c0_i32, %c0_i32_0 : i32, i32
  }
  func.func @transform_3(%arg0: i32) -> (i32, i32) {
    %c0_i32 = arith.constant 0 : i32
    %c0_i32_0 = arith.constant 0 : i32
    %c0_i32_1 = arith.constant 0 : i32
    return %c0_i32, %c0_i32_0 : i32, i32
  }
  func.func @transform_4(%arg0: i32) -> (i32, i32) {
    %c0_i32 = arith.constant 0 : i32
    %c0_i32_0 = arith.constant 0 : i32
    %c0_i32_1 = arith.constant 0 : i32
    return %c0_i32, %c0_i32_0 : i32, i32
  }
  func.func @transform_5(%arg0: i32) -> (i32, i32) {
    %c0_i32 = arith.constant 0 : i32
    %c0_i32_0 = arith.constant 0 : i32
    %c0_i32_1 = arith.constant 0 : i32
    return %c0_i32, %c0_i32_0 : i32, i32
  }
  func.func @transform_6(%arg0: i32) -> (i32, i32) {
    %c0_i32 = arith.constant 0 : i32
    %c0_i32_0 = arith.constant 0 : i32
    %c0_i32_1 = arith.constant 0 : i32
    return %c0_i32, %c0_i32_0 : i32, i32
  }
  func.func @transform_7(%arg0: i32) -> (i32, i32) {
    %c0_i32 = arith.constant 0 : i32
    %c0_i32_0 = arith.constant 0 : i32
    %c0_i32_1 = arith.constant 0 : i32
    return %c0_i32, %c0_i32_0 : i32, i32
  }
  func.func @transform_8(%arg0: i32) -> (i32, i32) {
    %c0_i32 = arith.constant 0 : i32
    %c0_i32_0 = arith.constant 0 : i32
    %c0_i32_1 = arith.constant 0 : i32
    return %c0_i32, %c0_i32_0 : i32, i32
  }
  func.func @transform_9(%arg0: i32) -> (i32, i32) {
    %c0_i32 = arith.constant 0 : i32
    %c0_i32_0 = arith.constant 0 : i32
    %c0_i32_1 = arith.constant 0 : i32
    return %c0_i32, %c0_i32_0 : i32, i32
  }
  func.func @transform_10(%arg0: i32) -> (i32, i32) {
    %c0_i32 = arith.constant 0 : i32
    %c0_i32_0 = arith.constant 0 : i32
    %c0_i32_1 = arith.constant 0 : i32
    return %c0_i32, %c0_i32_0 : i32, i32
  }
  func.func @transform_11(%arg0: i32) -> (i32, i32) {
    %c0_i32 = arith.constant 0 : i32
    %c0_i32_0 = arith.constant 0 : i32
    %c0_i32_1 = arith.constant 0 : i32
    return %c0_i32, %c0_i32_0 : i32, i32
  }
  func.func @transform_12(%arg0: i32) -> (i32, i32) {
    %c0_i32 = arith.constant 0 : i32
    %c0_i32_0 = arith.constant 0 : i32
    %c0_i32_1 = arith.constant 0 : i32
    return %c0_i32, %c0_i32_0 : i32, i32
  }
  func.func @transform_13(%arg0: i32) -> (i32, i32) {
    %c0_i32 = arith.constant 0 : i32
    %c0_i32_0 = arith.constant 0 : i32
    %c0_i32_1 = arith.constant 0 : i32
    return %c0_i32, %c0_i32_0 : i32, i32
  }
}

</mosaic_0001>

<sc_bundles>
// kernel: kernel.5.cloned.1.call-start
scs
__scs_entry_jumppad:
0x0: {  	(pc) =	sbr.rel $0x88, $3  }
0x1: {  	(tag) =	ssettag $0x0;
	lr =	simm.s32 $0x1  }
0x2: {  	[smem:$0x3F95] =	sst lr;
	_ =	strace $0xD0000000  }
0x3: {  	_ = 	snop  }
0x4: {  	_ = 	snop  }
0x5: {  	_ = 	snop  }
0x6: {  	_ = 	snop  }
0x7: {  	_ = 	snop  }
__scs_overlays_trampoline_lowered:
0x8: {  	[smem:$0x3FA4] =	sst s0  }
0x9: {  	[smem:$0x3FA5] =	sst s1  }
0xa: {  	[smem:$0x3FA6] =	sst s2  }
0xb: {  	[smem:$0x3FA7] =	sst s3  }
0xc: {  	[smem:$0x3FA8] =	sst s4  }
0xd: {  	[smem:$0x3FA9] =	sst s5  }
0xe: {  	[smem:$0x3FAA] =	sst s6  }
0xf: {  	[smem:$0x3FAB] =	sst s7  }
0x10: {  	[smem:$0x3FAC] =	sst s8  }
0x11: {  	[smem:$0x3FAD] =	sst s9;
	s0 =	simm.s32 @!p0 $0x0  }
0x12: {  	s1 =	sld [smem:$0x3F93];
	s0 =	simm.s32 @p0 $0x1  }
0x13: {  	[smem:$0x3FAE] =	sst s0;
	s0 =	simm.s32 @!p1 $0x0  }
0x14: {  	s2 =	sld [smem:$0x3F92];
	s0 =	simm.s32 @p1 $0x1  }
0x15: {  	[smem:$0x3FAF] =	sst s0;
	s0 =	simm.s32 @!p2 $0x0  }
0x16: {  	s3 =	sld [smem:$0x3FDB];
	s0 =	simm.s32 @p2 $0x1  }
0x17: {  	s4 =	simm.s32 $0x1BF5;
	[smem:$0x3FB1] =	sst s0  }
0x18: {  	s0 =	sld [smem:$0x3F94];
	_ =	swait.ge [sflag:s4], $0x0  }
0x19: {  	s7 =	sld [smem:$0x3F95]  }
0x1a: {  	s8 =	sadd.s32 $0xFFFFE003, lr  }
0x1b: {  	s9 =	sadd.s32 $0xFFFFFEF7, lr;
	s5 =	simm.s32 $0xFFFFFFFF;
	p2 =	slt.u32 s8, $0xFFFFF086  }
0x1c: {  	p1 =	slt.u32 s9, $0xF7A;
	s5 =	simm.s32 @!p2 $0x0  }
0x1d: {  	s5 =	simm.s32 @p1 $0x1;
	p0 =	seq.s32 s7, s2  }
0x1e: {  	s7 =	smul.u32 @!p0 $0xF7A, s2;
	p2 =	seq.s32 @!p0 s5, $0x0  }
0x1f: {  	s9 =	smul.u32 $0xF7A, s1;
	s8 =	simm.s32 @!p0 $0x1BF5;
	p2 =	por !p2, p0  }
0x20: {  	[sflag:s8] =	ssyncset.s32 @!p0 $0xFFFFF086;
	s6 =	sadd.s32 @!p0 s3, s7;
	s7 =	simm.s32 @!p0 $0x108  }
0x21: {  	s3 =	sadd.s32 s3, s9;
	s6 =	sadd.s32 @!p0 $0x88, s6;
	s7 =	simm.s32 @p2 $0x1082  }
0x22: {  	[simem:s7], [sflag:s8] =	dma.local @!p0 [hbm:s6], $0xF7A  }
0x23: {  	s9 =	sor.u32 $0xD0000000, s2;
	s6 =	simm.s32 $0x108;
	_ =	swait.ge @!p0 [sflag:s8], $0x0  }
0x24: {  	s3 =	sadd.s32 $0x88, s3;
	s6 =	simm.s32 @!p1 $0x1082;
	[sflag:s4] =	ssyncset.s32 $0xFFFFF086  }
0x25: {  	[simem:s6], [sflag:s4] =	dma.local [hbm:s3], $0xF7A  }
0x26: {  	[smem:$0x3F95] =	sst s1;
	(tag) =	ssettag s2;
	_ =	strace s9  }
0x27: {  	s1 =	sld [smem:$0x3FA5]  }
0x28: {  	s2 =	sld [smem:$0x3FA6]  }
0x29: {  	s4 =	sld [smem:$0x3FA8]  }
0x2a: {  	p0 =	seq.s32 s5, $0x0;
	s5 =	sld [smem:$0x3FA9]  }
0x2b: {  	s6 =	sld [smem:$0x3FAA]  }
0x2c: {  	s7 =	sld [smem:$0x3FAB]  }
0x2d: {  	s3 =	simm.s32 $0x108;
	s8 =	sld [smem:$0x3FAC]  }
0x2e: {  	s3 =	simm.s32 @!p0 $0x1082;
	s9 =	sld [smem:$0x3FAD]  }
0x2f: {  	lr =	sadd.s32 s0, s3;
	s0 =	sld [smem:$0x3FA4]  }
0x30: {  	s3 =	sld [smem:$0x3FA7]  }
0x31: {  	[smem:$0x3FB0] =	sst s10  }
0x32: {  	s10 =	sld [smem:$0x3FAE];
	_ =	sdelay $0x3  }
0x33: {  	p0 =	seq.s32 s10, $0x1;
	s10 =	sld [smem:$0x3FB0];
	_ =	sdelay $0x3  }
0x34: {  	[smem:$0x3FB0] =	sst s10  }
0x35: {  	s10 =	sld [smem:$0x3FAF];
	_ =	sdelay $0x3  }
0x36: {  	p1 =	seq.s32 s10, $0x1;
	s10 =	sld [smem:$0x3FB0];
	_ =	sdelay $0x3  }
0x37: {  	[smem:$0x3FB0] =	sst s10  }
0x38: {  	s10 =	sld [smem:$0x3FB1]  }
0x39: {  	_ = 	snop;
	(pc) =	sbr.ind lr, $3  }
0x3a: {  	_ = 	snop  }
0x3b: {  	_ = 	snop  }
0x3c: {  	p2 =	seq.s32 s10, $0x1;
	s10 =	sld [smem:$0x3FB0]  }
0x3d: {  	_ =	shalt  }
0x3e: {  	_ =	shalt  }
0x3f: {  	_ =	shalt  }
0x40: {  	_ =	shalt  }
0x41: {  	_ =	shalt  }
0x42: {  	_ =	shalt  }
0x43: {  	_ =	shalt  }
0x44: {  	_ =	shalt  }
0x45: {  	_ =	shalt  }
0x46: {  	_ =	shalt  }
0x47: {  	_ =	shalt  }
0x48: {  	_ =	shalt  }
0x49: {  	_ =	shalt  }
0x4a: {  	_ =	shalt  }
0x4b: {  	_ =	shalt  }
0x4c: {  	_ =	shalt  }
0x4d: {  	_ =	shalt  }
0x4e: {  	_ =	shalt  }
0x4f: {  	_ =	shalt  }
0x50: {  	_ =	shalt  }
0x51: {  	_ =	shalt  }
0x52: {  	_ =	shalt  }
0x53: {  	_ =	shalt  }
0x54: {  	_ =	shalt  }
0x55: {  	_ =	shalt  }
0x56: {  	_ =	shalt  }
0x57: {  	_ =	shalt  }
0x58: {  	_ =	shalt  }
0x59: {  	_ =	shalt  }
0x5a: {  	_ =	shalt  }
0x5b: {  	_ =	shalt  }
0x5c: {  	_ =	shalt  }
0x5d: {  	_ =	shalt  }
0x5e: {  	_ =	shalt  }
0x5f: {  	_ =	shalt  }
0x60: {  	_ =	shalt  }
0x61: {  	_ =	shalt  }
0x62: {  	_ =	shalt  }
0x63: {  	_ =	shalt  }
0x64: {  	_ =	shalt  }
0x65: {  	_ =	shalt  }
0x66: {  	_ =	shalt  }
0x67: {  	_ =	shalt  }
0x68: {  	_ =	shalt  }
0x69: {  	_ =	shalt  }
0x6a: {  	_ =	shalt  }
0x6b: {  	_ =	shalt  }
0x6c: {  	_ =	shalt  }
0x6d: {  	_ =	shalt  }
0x6e: {  	_ =	shalt  }
0x6f: {  	_ =	shalt  }
0x70: {  	_ =	shalt  }
0x71: {  	_ =	shalt  }
0x72: {  	_ =	shalt  }
0x73: {  	_ =	shalt  }
0x74: {  	_ =	shalt  }
0x75: {  	_ =	shalt  }
0x76: {  	_ =	shalt  }
0x77: {  	_ =	shalt  }
0x78: {  	_ =	shalt  }
0x79: {  	_ =	shalt  }
0x7a: {  	_ =	shalt  }
0x7b: {  	_ =	shalt  }
0x7c: {  	_ =	shalt  }
0x7d: {  	_ =	shalt  }
0x7e: {  	_ =	shalt  }
0x7f: {  	_ =	shalt  }
0x80: {  	_ =	shalt  }
0x81: {  	_ =	shalt  }
0x82: {  	_ =	shalt  }
0x83: {  	_ =	shalt  }
0x84: {  	_ =	shalt  }
0x85: {  	_ =	shalt  }
0x86: {  	_ =	shalt  }
0x87: {  	_ =	shalt  }
.Lfunc_end0:
.L_simem_size_0:
called_computation_lowered:
.L_overlay_start_0:
0x88: {  	s2 =	sld [smem:$0x3FD9]  }
0x89: {  	s3 =	sld [smem:$0x3FFE];
	_ =	sdelay $0x1  }
0x8a: {  	s1 =	srdreg.scid  }
0x8b: {  	s0 =	sand.u32 $0x1, s1  }
0x8c: {  	s17 =	sshll.u32 s0, $0xA;
	s2 =	sadd.s32 s3, s2  }
0x8d: {  	s2 =	sadd.s32 s2, s17  }
0x8e: {  	[smem:$0x3FBC] =	sst s2  }
0x8f: {  	_ = 	snop  }
0x90: {  	s2 =	sld [smem:$0x3FC9];
	(tm) =	ssettm $0x1  }
0x91: {  	s18 =	sld [smem:$0x3FFB];
	_ =	sdelay $0x3  }
0x92: {  	_ =	strace s18  }
0x93: {  	s3 =	sld [smem:$0x3FFC];
	_ =	sdelay $0x3  }
0x94: {  	_ =	strace s3  }
0x95: {  	s3 =	sld [smem:$0x3FFD];
	_ =	sdelay $0x3  }
0x96: {  	_ =	strace s3  }
0x97: {  	_ =	strace $0x8FFFFFFF  }
0x98: {  	s19 =	sld [smem:$0x3FDB];
	_ =	sdelay $0x1  }
0x99: {  	s4 =	simm.s32 $_scs_section_size  }
0x9a: {  	s5 =	simm.s32 $_size__tile_overlayer_lowered;
	s6 =	simm.s32 $_tile_overlayer_lowered  }
0x9b: {  	s22 =	simm.s32 $0x1BFF;
	s21 =	sshll.u32 s6, $0x1;
	s3 =	sadd.s32 s4, s19  }
0x9c: {  	s7 =	simm.s32 $0x0;
	s20 =	sshll.u32 s5, $0x1;
	s5 =	sadd.s32 s21, s3  }
0x9d: {  	[timem:s7], [sflag:s22] =	dma.local [hbm:s5], s20  }
0x9e: {  	_ =	swait.ge [sflag:s22], s20  }
0x9f: {  	s4 =	ssub.s32 $0x0, s20;
	[sflag:s22] =	ssyncset.done $0x0  }
0xa0: {  	[sflag:s22] =	ssyncadd.s32 s4;
	_ =	sdelay $0x1  }
0xa1: {  	s23 =	simm.s32 $0x1B8B  }
0xa2: {  	_ =	swait.ge [sflag:s23], $0x1  }
0xa3: {  	[sflag:s23] =	ssyncset.done $0x0  }
0xa4: {  	s25 =	simm.s32 $0x1B8E;
	s24 =	sld [smem:$0x3FFE];
	[sflag:s23] =	ssyncadd.s32 $0xFFFFFFFF  }
0xa5: {  	s26 =	simm.s32 $execute0_lowered;
	[smem:$0x3FD2] =	sst s25  }
0xa6: {  	s5 =	sshll.u32 s26, $0x1;
	_ =	strace $0x80000046;
	[dreg:$0x1] =	wrdreg $0xFFFFFFFF  }
0xa7: {  	s28 =	simm.s32 $_size_execute0_lowered;
	s3 =	sadd.s32 s3, s5;
	[dreg:$0x0] =	wrdreg $0x0  }
0xa8: {  	s5 =	sshll.u32 s28, $0x1;
	[dreg:$0x2] =	wrdreg s3  }
0xa9: {  	[dreg:$0x3] =	wrdreg s5  }
0xaa: {  	[dreg:$0x4] =	wrdreg $0xC0  }
0xab: {  	_ =	task [dreg:s7], $0x5FFFF  }
0xac: {  	[dreg:$0x1] =	wrdreg $0xFFFFFFFF  }
0xad: {  	[dreg:$0x0] =	wrdreg $0x60  }
0xae: {  	[dreg:$0x2] =	wrdreg s2  }
0xaf: {  	[dreg:$0x3] =	wrdreg s24  }
0xb0: {  	[dreg:$0x4] =	wrdreg $0x9  }
0xb1: {  	_ =	task.clear_ibuf [dreg:s7], $0x5FFFF;
	_ =	strace $0x90000046  }
0xb2: {  	s29 =	simm.s32 $0x9;
	_ =	strace $0x80000048  }
0xb3: {  	_ =	swait.ge [sflag:s29], $0x1  }
0xb4: {  	[sflag:s29] =	ssyncadd.s32 $0xFFFFFFFF  }
0xb5: {  	_ =	strace $0x90000048  }
0xb6: {  	_ =	sfence  }
0xb7: {  	s30 =	sld [smem:$0x0];
	_ =	sdelay $0x2  }
0xb8: {  	s31 =	sshll.u32 s1, $0xD;
	s1 =	sshrl.u32 s1, $0x2  }
0xb9: {  	s3 =	sand.u32 $0x4000, s31;
	s1 =	sadd.s32 s1, s30  }
0xba: {  	s0 =	sor.u32 s3, s0;
	s1 =	sshll.u32 s1, $0x11  }
0xbb: {  	s0 =	sor.u32 s1, s0  }
0xbc: {  	s0 =	sadd.s32 $0x8F2B, s0  }
0xbd: {  	[sflag:s0] =	ssyncadd.remote.s32 $0x1  }
0xbe: {  	_ =	sfence.sel $0xFFFF  }
0xbf: {  	[dreg:$0x0] =	wrdreg $0xFFFFFFFF;
	(pc) =	sbr.abs _section_cstart, $3  }
0xc0: {  	[dreg:$0x1] =	wrdreg $0xFFFFFFFF  }
0xc1: {  	_ =	task.clear_ibuf [dreg:s7], $0x2FFFF;
	_ =	strace $0x9FFFFFFF  }
0xc2: {  	(tm) =	ssettm $0x7FFFFFFF  }
0xc3: {  	_ =	shalt  }
tec
execute0_lowered:
.L_overlay_start_1:
0x0: {  	(tag) =	ssettag $0x1  }
0x1: {  	s3 =	rddreg [dreg:$0x0]  }
0x2: {  	s4 =	rddreg [dreg:$0x1];
	s1 =	simm.s32 $0x0  }
0x3: {  	s5 =	srdreg.scid;
	s0 =	stileid.u32;
	s11 =	simm.s32 $0x400  }
0x4: {  	s13 =	simm.s32 $0x1;
	s14 =	simm.s32 $0x8000;
	s15 =	simm.s32 $0x8480  }
0x5: {  	s16 =	simm.s32 $0x8900;
	s17 =	simm.s32 $0x8D80;
	s18 =	simm.s32 $0x2  }
0x6: {  	s19 =	simm.s32 $0x80;
	s20 =	simm.s32 $0x3;
	s21 =	simm.s32 $0x0  }
0x7: {  	[smem:$0x7FF] =	sst s1;
	s5 =	sand.u32 $0x1, s5;
	s6 =	smul.u32 $0x2400, s0  }
0x8: {  	s8 =	sshll.u32 s0, $0x10;
	_ =	strace $0x80000047;
	s7 =	sshll.u32 s5, $0x9  }
0x9: {  	s5 =	ssub.s32 $0x2, s5;
	s6 =	sor.u32 s7, s6;
	s7 =	sor.u32 s7, s8  }
0xa: {  	s31 =	sshrl.u32 s5, $0x1;
	s6 =	sshrl.u32 s6, $0x3;
	s7 =	sshrl.u32 s7, $0x3  }
0xb: {  	s10 =	ssub.s32 s5, s31;
	s9 =	sadd.s32 s6, s4;
	s3 =	sadd.s32 s3, s7  }
0xc: {  	v1 =	vlaneseq.u32;
	s4 =	sadd.s32 $0x1000, s3;
	s5 =	sadd.s32 $0x2000, s9;
	s6 =	sadd.s32 $0x2010, s9  }
0xd: {  	v0 =	vimm.s32 $0x0;
	v2 =	vimm.s32 $0x1;
	v1 =	vmul.u32 $0x41, v1;
	s7 =	sadd.s32 $0x2020, s9;
	s8 =	sadd.s32 $0x2030, s9;
	s9 =	smax.u32 s10, $0x1  }
.LBB2_1:
0xe: {  	s0 =	simm.s32 $0x0;
	s1 =	simm.s32 $0x200  }
0xf: {  	[tilespmem:s0], [sflag:$0x1] =	stream.strided.gather [hbm4b:s3+s1], $0x4000, s11, s1, $0x38;
	[tilespmem:$0x9200] =	vst v63  }
0x10: {  	s31 =	simm.s32 $0x4000;
	s22 =	simm.s32 $0x8020  }
0x11: {  	[tilespmem:s31], [sflag:$0x2] =	stream.strided.gather [hbm4b:s4+s1], $0x4000, s11, s1, $0x38;
	[tilespmem:$0x9200] =	vst v63  }
0x12: {  	[tilespmem:s22+$0xFFFFFFE0] =	vst v0  }
0x13: {  	[tilespmem:s22+$0x20] =	vst v0  }
0x14: {  	[tilespmem:s22+$0x10] =	vst v0  }
0x15: {  	s24 =	simm.s32 $0x0;
	[tilespmem:s22+$0x0] =	vst v0  }
.LBB2_2:
0x16: {  	s24 =	sadd.s32 $0x5, s24  }
0x17: {  	[tilespmem:s22+$0xFFFFFFF0] =	vst v0;
	s22 =	sadd.s32 $0x50, s22;
	s23 =	simm.s32 $0x84A0;
	p0 =	slt.u32 s24, $0x3C  }
.Ltmp0:
0x18: {  	[tilespmem:s22+$0xFFFFFFE0] =	vst v0;
	(pc) =	sbr.rel @p0 .LBB2_2-.Ltmp0, $4  }
0x19: {  	_ = 	snop  }
0x1a: {  	[tilespmem:s22+$0x20] =	vst v0  }
0x1b: {  	[tilespmem:s22+$0x10] =	vst v0  }
0x1c: {  	[tilespmem:s22+$0x0] =	vst v0  }
0x1d: {  	[tilespmem:s22+$0xFFFFFFF0] =	vst v0  }
0x1e: {  	[tilespmem:s23+$0xFFFFFFE0] =	vst v0  }
0x1f: {  	[tilespmem:s23+$0x20] =	vst v0  }
0x20: {  	[tilespmem:s23+$0x10] =	vst v0  }
0x21: {  	s24 =	simm.s32 $0x0;
	s22 =	simm.s32 $0x8920;
	[tilespmem:s23+$0x0] =	vst v0  }
.LBB2_4:
0x22: {  	s24 =	sadd.s32 $0x5, s24  }
0x23: {  	[tilespmem:s23+$0xFFFFFFF0] =	vst v0;
	s23 =	sadd.s32 $0x50, s23;
	p0 =	slt.u32 s24, $0x3C  }
.Ltmp1:
0x24: {  	[tilespmem:s23+$0xFFFFFFE0] =	vst v0;
	(pc) =	sbr.rel @p0 .LBB2_4-.Ltmp1, $4  }
0x25: {  	_ = 	snop  }
0x26: {  	[tilespmem:s23+$0x20] =	vst v0  }
0x27: {  	[tilespmem:s23+$0x10] =	vst v0  }
0x28: {  	[tilespmem:s23+$0x0] =	vst v0  }
0x29: {  	[tilespmem:s23+$0xFFFFFFF0] =	vst v0  }
0x2a: {  	[tilespmem:s22+$0xFFFFFFE0] =	vst v0  }
0x2b: {  	[tilespmem:s22+$0x20] =	vst v0  }
0x2c: {  	[tilespmem:s22+$0x10] =	vst v0  }
0x2d: {  	s24 =	simm.s32 $0x0;
	[tilespmem:s22+$0x0] =	vst v0  }
.LBB2_6:
0x2e: {  	s24 =	sadd.s32 $0x5, s24  }
0x2f: {  	[tilespmem:s22+$0xFFFFFFF0] =	vst v0;
	s22 =	sadd.s32 $0x50, s22;
	s23 =	simm.s32 $0x8DA0;
	p0 =	slt.u32 s24, $0x3C  }
.Ltmp2:
0x30: {  	[tilespmem:s22+$0xFFFFFFE0] =	vst v0;
	(pc) =	sbr.rel @p0 .LBB2_6-.Ltmp2, $4  }
0x31: {  	_ = 	snop  }
0x32: {  	[tilespmem:s22+$0x20] =	vst v0  }
0x33: {  	[tilespmem:s22+$0x10] =	vst v0  }
0x34: {  	[tilespmem:s22+$0x0] =	vst v0  }
0x35: {  	[tilespmem:s22+$0xFFFFFFF0] =	vst v0  }
0x36: {  	[tilespmem:s23+$0xFFFFFFE0] =	vst v0  }
0x37: {  	[tilespmem:s23+$0x20] =	vst v0  }
0x38: {  	[tilespmem:s23+$0x10] =	vst v0  }
0x39: {  	s22 =	simm.s32 $0x0;
	[tilespmem:s23+$0x0] =	vst v0  }
.LBB2_8:
0x3a: {  	s22 =	sadd.s32 $0x5, s22  }
0x3b: {  	[tilespmem:s23+$0xFFFFFFF0] =	vst v0;
	s23 =	sadd.s32 $0x50, s23;
	p0 =	slt.u32 s22, $0x3C  }
.Ltmp3:
0x3c: {  	[tilespmem:s23+$0xFFFFFFE0] =	vst v0;
	(pc) =	sbr.rel @p0 .LBB2_8-.Ltmp3, $4  }
0x3d: {  	_ = 	snop  }
0x3e: {  	[tilespmem:s23+$0x20] =	vst v0  }
0x3f: {  	[tilespmem:s23+$0x10] =	vst v0  }
0x40: {  	[tilespmem:s23+$0x0] =	vst v0  }
0x41: {  	[tilespmem:s23+$0xFFFFFFF0] =	vst v0  }
0x42: {  	s22 =	simm.s32 $0x0;
	_ =	swait.ge [sflag:s13], $0x4000  }
0x43: {  	s0 =	sand.u32 $0x40, s22;
	s22 =	sand.u32 $0x3E00, s22;
	[sflag:s13] =	ssyncset.done $0x0  }
0x44: {  	s22 =	sor.u32 s0, s22;
	[sflag:s13] =	ssyncadd.s32 $0xFFFFC000  }
0x45: {  	v3 =	vld [tilespmem:s22+$0x30]  }
0x46: {  	v4 =	vld [tilespmem:s22+$0x0]  }
0x47: {  	v5 =	vld [tilespmem:s22+$0x10];
	_ =	sdelay $0x2  }
0x48: {  	v3 =	vadd.s32 v1, v3  }
0x49: {  	v4 =	vadd.s32 v1, v4  }
0x4a: {  	v5 =	vadd.s32 v1, v5;
	_ =	sdelay $0x1  }
0x4b: {  	v6 =	vld [tilespmem:s22+$0x20]  }
0x4c: {  	[tilespmem:v3+s14+$0x0] =	vst.idx.add.s32.msk $0xffff, v2  }
0x4d: {  	[tilespmem:v4+s14+$0x0] =	vst.idx.add.s32.msk $0xffff, v2  }
0x4e: {  	[tilespmem:v5+s14+$0x0] =	vst.idx.add.s32.msk $0xffff, v2  }
0x4f: {  	v3 =	vld [tilespmem:s22+$0xB0]  }
0x50: {  	v5 =	vld [tilespmem:s22+$0x80]  }
0x51: {  	v4 =	vadd.s32 v1, v6;
	v6 =	vld [tilespmem:s22+$0x90];
	_ =	sdelay $0x2  }
0x52: {  	v3 =	vadd.s32 v1, v3  }
0x53: {  	v5 =	vadd.s32 v1, v5  }
0x54: {  	p0 =	por $0x0, $0x0;
	s23 =	simm.s32 $0x1;
	[tilespmem:v4+s14+$0x0] =	vst.idx.add.s32.msk $0xffff, v2;
	v6 =	vadd.s32 v1, v6  }
0x55: {  	s23 =	simm.s32 @!p0 $0x0;
	v4 =	vld [tilespmem:s22+$0xA0]  }
0x56: {  	s1 =	sshll.u32 s23, $0x6  }
0x57: {  	s22 =	sadd.s32 $0x0, s1;
	[tilespmem:v3+s15+$0x0] =	vst.idx.add.s32.msk $0xffff, v2  }
0x58: {  	s2 =	sadd.s32 $0x30, s22;
	[tilespmem:v5+s15+$0x0] =	vst.idx.add.s32.msk $0xffff, v2  }
0x59: {  	s24 =	sor.u32 $0x100, s2;
	[tilespmem:v6+s15+$0x0] =	vst.idx.add.s32.msk $0xffff, v2  }
0x5a: {  	s10 =	sadd.s32 $0x10, s22;
	s25 =	sor.u32 $0x100, s22;
	v4 =	vadd.s32 v1, v4;
	v3 =	vld [tilespmem:s24+$0x0]  }
0x5b: {  	s26 =	simm.s32 $0x100;
	s28 =	simm.s32 $0x40;
	s29 =	sor.u32 $0x100, s10;
	v5 =	vld [tilespmem:s25+$0x0]  }
0x5c: {  	s12 =	sand.u32 $0x40, s28;
	s26 =	sand.u32 $0x3E00, s26;
	v6 =	vld [tilespmem:s29+$0x0]  }
0x5d: {  	s25 =	sor.u32 s12, s26  }
0x5e: {  	v7 =	vld [tilespmem:s25+$0x30]  }
0x5f: {  	[tilespmem:v4+s15+$0x0] =	vst.idx.add.s32.msk $0xffff, v2;
	v3 =	vadd.s32 v1, v3  }
0x60: {  	v4 =	vld [tilespmem:s25+$0x0];
	v5 =	vadd.s32 v1, v5  }
0x61: {  	s0 =	sadd.s32 $0x20, s22;
	v8 =	vld [tilespmem:s25+$0x10];
	v6 =	vadd.s32 v1, v6  }
0x62: {  	s28 =	sor.u32 $0x100, s0;
	v9 =	vld [tilespmem:s25+$0x20]  }
0x63: {  	v10 =	vld [tilespmem:s28+$0x0];
	v7 =	vadd.s32 v1, v7  }
0x64: {  	[tilespmem:v3+s16+$0x0] =	vst.idx.add.s32.msk $0xffff, v2  }
0x65: {  	v4 =	vadd.s32 v1, v4;
	[tilespmem:v5+s16+$0x0] =	vst.idx.add.s32.msk $0xffff, v2  }
0x66: {  	s23 =	sor.u32 $0x180, s2;
	v5 =	vadd.s32 v1, v8;
	[tilespmem:v6+s16+$0x0] =	vst.idx.add.s32.msk $0xffff, v2  }
0x67: {  	v6 =	vadd.s32 v1, v9;
	v3 =	vld [tilespmem:s23+$0x0]  }
0x68: {  	[tilespmem:v7+s14+$0x0] =	vst.idx.add.s32.msk $0xffff, v2  }
0x69: {  	v7 =	vld [tilespmem:s25+$0xB0]  }
0x6a: {  	[tilespmem:v4+s14+$0x0] =	vst.idx.add.s32.msk $0xffff, v2  }
0x6b: {  	[tilespmem:v5+s14+$0x0] =	vst.idx.add.s32.msk $0xffff, v2  }
0x6c: {  	v4 =	vadd.s32 v1, v10;
	[tilespmem:v6+s14+$0x0] =	vst.idx.add.s32.msk $0xffff, v2  }
0x6d: {  	v5 =	vld [tilespmem:s25+$0x80]  }
0x6e: {  	p0 =	por !p0, !p0;
	s23 =	simm.s32 $0x1;
	v6 =	vld [tilespmem:s25+$0x90];
	v7 =	vadd.s32 v1, v7  }
0x6f: {  	s24 =	sor.u32 $0x180, s10;
	s23 =	simm.s32 @!p0 $0x0;
	v8 =	vld [tilespmem:s25+$0xA0]  }
0x70: {  	v62 =	vld [tilespmem:s24+$0x0];
	s23 =	sshll.u32 s23, $0x6  }
0x71: {  	s22 =	sor.u32 $0x180, s22;
	s2 =	sadd.s32 $0x100, s23;
	v3 =	vadd.s32 v1, v3;
	[tilespmem:v4+s16+$0x0] =	vst.idx.add.s32.msk $0xffff, v2  }
0x72: {  	s29 =	sadd.s32 $0x30, s2;
	v4 =	vld [tilespmem:s22+$0x0];
	v5 =	vadd.s32 v1, v5  }
0x73: {  	s10 =	sor.u32 $0x100, s29;
	v6 =	vadd.s32 v1, v6;
	[tilespmem:v7+s15+$0x0] =	vst.idx.add.s32.msk $0xffff, v2  }
0x74: {  	s1 =	sor.u32 $0x180, s0;
	v7 =	vadd.s32 v1, v8;
	v8 =	vld [tilespmem:s10+$0x0]  }
0x75: {  	v63 =	vld [tilespmem:s1+$0x0]  }
0x76: {  	[tilespmem:v3+s17+$0x0] =	vst.idx.add.s32.msk $0xffff, v2  }
0x77: {  	s26 =	simm.s32 $0x80;
	s23 =	sadd.s32 $0x10, s2;
	[tilespmem:v5+s15+$0x0] =	vst.idx.add.s32.msk $0xffff, v2  }
0x78: {  	s12 =	sadd.s32 $0x20, s2;
	s0 =	sor.u32 $0x100, s2;
	s28 =	sor.u32 $0x180, s2;
	[tilespmem:v6+s15+$0x0] =	vst.idx.add.s32.msk $0xffff, v2  }
0x79: {  	s31 =	sor.u32 $0x100, s23;
	s30 =	sor.u32 $0x100, s12;
	s24 =	sor.u32 $0x180, s23;
	[tilespmem:v7+s15+$0x0] =	vst.idx.add.s32.msk $0xffff, v2;
	v6 =	vadd.s32 v1, v8  }
0x7a: {  	s23 =	sor.u32 $0x180, s12;
	s25 =	simm.s32 $0x200;
	s22 =	simm.s32 $0x4;
	v3 =	vadd.s32 v1, v62;
	v5 =	vadd.s32 v1, v4;
	v4 =	vadd.s32 v1, v63;
	v7 =	vld [tilespmem:s0+$0x0]  }
.LBB2_10:
0x7b: {  	s0 =	sand.u32 $0x40, s26;
	s1 =	sand.u32 $0x3E00, s25;
	v8 =	vld [tilespmem:s31+$0x0]  }
0x7c: {  	s22 =	sadd.s32 $0x4, s22;
	s0 =	sor.u32 s0, s1;
	v9 =	vld [tilespmem:s30+$0x0]  }
0x7d: {  	p1 =	slt.u32 s22, $0xFC;
	v10 =	vld [tilespmem:s0+$0x30]  }
0x7e: {  	s1 =	sor.u32 $0x180, s29;
	[tilespmem:v6+s16+$0x0] =	vst.idx.add.s32.msk $0xffff, v2  }
0x7f: {  	v6 =	vadd.s32 v1, v7;
	v7 =	vld [tilespmem:s1+$0x0]  }
0x80: {  	v11 =	vld [tilespmem:s0+$0x0];
	v8 =	vadd.s32 v1, v8  }
0x81: {  	v12 =	vld [tilespmem:s0+$0x10];
	v9 =	vadd.s32 v1, v9  }
0x82: {  	v13 =	vld [tilespmem:s0+$0x20];
	v10 =	vadd.s32 v1, v10  }
0x83: {  	[tilespmem:v5+s17+$0x0] =	vst.idx.add.s32.msk $0xffff, v2  }
0x84: {  	[tilespmem:v6+s16+$0x0] =	vst.idx.add.s32.msk $0xffff, v2;
	v5 =	vadd.s32 v1, v7  }
0x85: {  	v6 =	vadd.s32 v1, v11;
	[tilespmem:v8+s16+$0x0] =	vst.idx.add.s32.msk $0xffff, v2  }
0x86: {  	v7 =	vadd.s32 v1, v12;
	[tilespmem:v9+s16+$0x0] =	vst.idx.add.s32.msk $0xffff, v2  }
0x87: {  	v8 =	vadd.s32 v1, v13;
	[tilespmem:v10+s14+$0x0] =	vst.idx.add.s32.msk $0xffff, v2  }
0x88: {  	v9 =	vld [tilespmem:s0+$0xB0]  }
0x89: {  	[tilespmem:v5+s17+$0x0] =	vst.idx.add.s32.msk $0xffff, v2  }
0x8a: {  	[tilespmem:v6+s14+$0x0] =	vst.idx.add.s32.msk $0xffff, v2  }
0x8b: {  	[tilespmem:v7+s14+$0x0] =	vst.idx.add.s32.msk $0xffff, v2  }
0x8c: {  	[tilespmem:v8+s14+$0x0] =	vst.idx.add.s32.msk $0xffff, v2  }
0x8d: {  	v5 =	vld [tilespmem:s0+$0x80]  }
0x8e: {  	p0 =	por !p0, !p0;
	s1 =	simm.s32 $0x1;
	v7 =	vadd.s32 v1, v9;
	v6 =	vld [tilespmem:s0+$0x90]  }
0x8f: {  	s1 =	simm.s32 @!p0 $0x0;
	v8 =	vld [tilespmem:s0+$0xA0]  }
0x90: {  	s0 =	sshll.u32 s1, $0x6;
	v9 =	vld [tilespmem:s28+$0x0]  }
0x91: {  	s0 =	sadd.s32 s0, s25;
	v10 =	vld [tilespmem:s24+$0x0]  }
0x92: {  	s1 =	sadd.s32 $0x10, s0;
	s28 =	sadd.s32 $0x20, s0;
	s29 =	sadd.s32 $0x30, s0;
	v11 =	vadd.s32 v1, v5;
	v12 =	vld [tilespmem:s23+$0x0]  }
0x93: {  	s31 =	sor.u32 $0x100, s1;
	s30 =	sor.u32 $0x100, s28;
	s2 =	sor.u32 $0x100, s29;
	v6 =	vadd.s32 v1, v6;
	[tilespmem:v7+s15+$0x0] =	vst.idx.add.s32.msk $0xffff, v2  }
0x94: {  	s12 =	sor.u32 $0x100, s0;
	s24 =	sor.u32 $0x180, s1;
	s23 =	sor.u32 $0x180, s28;
	v7 =	vadd.s32 v1, v8;
	v8 =	vld [tilespmem:s2+$0x0]  }
0x95: {  	s28 =	sor.u32 $0x180, s0;
	v5 =	vadd.s32 v1, v9;
	[tilespmem:v3+s17+$0x0] =	vst.idx.add.s32.msk $0xffff, v2  }
.Ltmp4:
0x96: {  	v3 =	vadd.s32 v1, v10;
	[tilespmem:v4+s17+$0x0] =	vst.idx.add.s32.msk $0xffff, v2;
	(pc) =	sbr.rel @p1 .LBB2_10-.Ltmp4, $4  }
0x97: {  	[tilespmem:v11+s15+$0x0] =	vst.idx.add.s32.msk $0xffff, v2;
	v4 =	vadd.s32 v1, v12  }
0x98: {  	[tilespmem:v6+s15+$0x0] =	vst.idx.add.s32.msk $0xffff, v2  }
0x99: {  	[tilespmem:v7+s15+$0x0] =	vst.idx.add.s32.msk $0xffff, v2;
	v6 =	vadd.s32 v1, v8  }
0x9a: {  	s26 =	sadd.s32 $0x40, s26;
	s25 =	sadd.s32 $0x100, s25;
	v7 =	vld [tilespmem:s12+$0x0]  }
0x9b: {  	v8 =	vld [tilespmem:s31+$0x0]  }
0x9c: {  	v9 =	vld [tilespmem:s30+$0x0];
	_ =	sdelay $0x2  }
0x9d: {  	v7 =	vadd.s32 v1, v7  }
0x9e: {  	v8 =	vadd.s32 v1, v8  }
0x9f: {  	v9 =	vadd.s32 v1, v9  }
0xa0: {  	[tilespmem:v6+s16+$0x0] =	vst.idx.add.s32.msk $0xffff, v2;
	s0 =	sor.u32 $0x180, s29  }
0xa1: {  	v6 =	vld [tilespmem:s0+$0x0]  }
0xa2: {  	[tilespmem:v7+s16+$0x0] =	vst.idx.add.s32.msk $0xffff, v2  }
0xa3: {  	[tilespmem:v8+s16+$0x0] =	vst.idx.add.s32.msk $0xffff, v2  }
0xa4: {  	[tilespmem:v9+s16+$0x0] =	vst.idx.add.s32.msk $0xffff, v2  }
0xa5: {  	v7 =	vld [tilespmem:s28+$0x0]  }
0xa6: {  	v8 =	vld [tilespmem:s24+$0x0]  }
0xa7: {  	v6 =	vadd.s32 v1, v6;
	v9 =	vld [tilespmem:s23+$0x0];
	_ =	sdelay $0x2  }
0xa8: {  	v7 =	vadd.s32 v1, v7  }
0xa9: {  	[tilespmem:v5+s17+$0x0] =	vst.idx.add.s32.msk $0xffff, v2;
	v5 =	vadd.s32 v1, v8  }
0xaa: {  	[tilespmem:v6+s17+$0x0] =	vst.idx.add.s32.msk $0xffff, v2;
	v6 =	vadd.s32 v1, v9  }
0xab: {  	[tilespmem:v3+s17+$0x0] =	vst.idx.add.s32.msk $0xffff, v2  }
0xac: {  	[tilespmem:v4+s17+$0x0] =	vst.idx.add.s32.msk $0xffff, v2  }
0xad: {  	[tilespmem:v7+s17+$0x0] =	vst.idx.add.s32.msk $0xffff, v2  }
0xae: {  	[tilespmem:v5+s17+$0x0] =	vst.idx.add.s32.msk $0xffff, v2  }
0xaf: {  	[tilespmem:v6+s17+$0x0] =	vst.idx.add.s32.msk $0xffff, v2  }
0xb0: {  	s24 =	simm.s32 $0x0;
	_ =	swait.ge [sflag:s18], $0x4000  }
0xb1: {  	s1 =	sand.u32 $0x40, s24;
	s0 =	sand.u32 $0x3E00, s24;
	[sflag:s18] =	ssyncset.done $0x0  }
0xb2: {  	s0 =	sor.u32 s1, s0;
	[sflag:s18] =	ssyncadd.s32 $0xFFFFC000  }
0xb3: {  	v3 =	vld [tilespmem:s0+$0x4030]  }
0xb4: {  	v4 =	vld [tilespmem:s0+$0x4000]  }
0xb5: {  	v5 =	vld [tilespmem:s0+$0x4010];
	_ =	sdelay $0x2  }
0xb6: {  	v3 =	vadd.s32 v1, v3  }
0xb7: {  	v4 =	vadd.s32 v1, v4  }
0xb8: {  	v5 =	vadd.s32 v1, v5;
	_ =	sdelay $0x1  }
0xb9: {  	v6 =	vld [tilespmem:s0+$0x4020]  }
0xba: {  	[tilespmem:v3+s14+$0x0] =	vst.idx.add.s32.msk $0xffff, v2  }
0xbb: {  	[tilespmem:v4+s14+$0x0] =	vst.idx.add.s32.msk $0xffff, v2  }
0xbc: {  	[tilespmem:v5+s14+$0x0] =	vst.idx.add.s32.msk $0xffff, v2  }
0xbd: {  	v3 =	vld [tilespmem:s0+$0x40B0]  }
0xbe: {  	v4 =	vadd.s32 v1, v6;
	v5 =	vld [tilespmem:s0+$0x4080];
	_ =	sdelay $0x2  }
0xbf: {  	v6 =	vld [tilespmem:s0+$0x4090]  }
0xc0: {  	v3 =	vadd.s32 v1, v3  }
0xc1: {  	p0 =	por $0x0, $0x0;
	s1 =	simm.s32 $0x1;
	[tilespmem:v4+s14+$0x0] =	vst.idx.add.s32.msk $0xffff, v2;
	v5 =	vadd.s32 v1, v5  }
0xc2: {  	s1 =	simm.s32 @!p0 $0x0;
	v4 =	vld [tilespmem:s0+$0x40A0]  }
0xc3: {  	s25 =	sshll.u32 s1, $0x6  }
0xc4: {  	s0 =	sadd.s32 $0x0, s25;
	v6 =	vadd.s32 v1, v6  }
0xc5: {  	s1 =	sadd.s32 $0x30, s0;
	[tilespmem:v3+s15+$0x0] =	vst.idx.add.s32.msk $0xffff, v2  }
0xc6: {  	s2 =	sor.u32 $0x100, s1;
	[tilespmem:v5+s15+$0x0] =	vst.idx.add.s32.msk $0xffff, v2  }
0xc7: {  	s22 =	simm.s32 $0x100;
	s26 =	simm.s32 $0x40;
	s12 =	sor.u32 $0x100, s0;
	v4 =	vadd.s32 v1, v4;
	v3 =	vld [tilespmem:s2+$0x4000]  }
0xc8: {  	s22 =	sand.u32 $0x3E00, s22;
	s25 =	sand.u32 $0x40, s26;
	v5 =	vld [tilespmem:s12+$0x4000]  }
0xc9: {  	[tilespmem:v6+s15+$0x0] =	vst.idx.add.s32.msk $0xffff, v2;
	s2 =	sadd.s32 $0x10, s0;
	s12 =	sor.u32 s25, s22  }
0xca: {  	s10 =	sor.u32 $0x100, s2;
	v7 =	vld [tilespmem:s12+$0x4030]  }
0xcb: {  	v6 =	vld [tilespmem:s10+$0x4000]  }
0xcc: {  	[tilespmem:v4+s15+$0x0] =	vst.idx.add.s32.msk $0xffff, v2;
	v3 =	vadd.s32 v1, v3  }
0xcd: {  	v4 =	vld [tilespmem:s12+$0x4000];
	v5 =	vadd.s32 v1, v5  }
0xce: {  	s26 =	sadd.s32 $0x20, s0;
	v8 =	vld [tilespmem:s12+$0x4010]  }
0xcf: {  	v61 =	vld [tilespmem:s12+$0x4020];
	s10 =	sor.u32 $0x100, s26;
	v7 =	vadd.s32 v1, v7  }
0xd0: {  	v10 =	vld [tilespmem:s10+$0x4000];
	v6 =	vadd.s32 v1, v6  }
0xd1: {  	[tilespmem:v3+s16+$0x0] =	vst.idx.add.s32.msk $0xffff, v2  }
0xd2: {  	s1 =	sor.u32 $0x180, s1;
	v4 =	vadd.s32 v1, v4;
	[tilespmem:v5+s16+$0x0] =	vst.idx.add.s32.msk $0xffff, v2  }
0xd3: {  	v5 =	vadd.s32 v1, v8;
	v3 =	vld [tilespmem:s1+$0x4000]  }
0xd4: {  	[tilespmem:v7+s14+$0x0] =	vst.idx.add.s32.msk $0xffff, v2  }
0xd5: {  	[tilespmem:v6+s16+$0x0] =	vst.idx.add.s32.msk $0xffff, v2;
	v6 =	vadd.s32 v1, v61  }
0xd6: {  	v7 =	vld [tilespmem:s12+$0x40B0]  }
0xd7: {  	[tilespmem:v4+s14+$0x0] =	vst.idx.add.s32.msk $0xffff, v2  }
0xd8: {  	[tilespmem:v5+s14+$0x0] =	vst.idx.add.s32.msk $0xffff, v2  }
0xd9: {  	v4 =	vadd.s32 v1, v10;
	v5 =	vld [tilespmem:s12+$0x4080]  }
0xda: {  	[tilespmem:v6+s14+$0x0] =	vst.idx.add.s32.msk $0xffff, v2  }
0xdb: {  	p0 =	por !p0, !p0;
	s1 =	simm.s32 $0x1;
	v6 =	vld [tilespmem:s12+$0x4090];
	v7 =	vadd.s32 v1, v7  }
0xdc: {  	s2 =	sor.u32 $0x180, s2;
	s1 =	simm.s32 @!p0 $0x0;
	v8 =	vld [tilespmem:s12+$0x40A0]  }
0xdd: {  	s1 =	sshll.u32 s1, $0x6;
	v62 =	vld [tilespmem:s2+$0x4000]  }
0xde: {  	s0 =	sor.u32 $0x180, s0;
	s1 =	sadd.s32 $0x100, s1;
	v3 =	vadd.s32 v1, v3;
	[tilespmem:v4+s16+$0x0] =	vst.idx.add.s32.msk $0xffff, v2  }
0xdf: {  	s29 =	sadd.s32 $0x30, s1;
	v4 =	vld [tilespmem:s0+$0x4000];
	v5 =	vadd.s32 v1, v5  }
0xe0: {  	s23 =	sor.u32 $0x100, s29;
	v6 =	vadd.s32 v1, v6;
	[tilespmem:v7+s15+$0x0] =	vst.idx.add.s32.msk $0xffff, v2  }
0xe1: {  	s22 =	sor.u32 $0x180, s26;
	v7 =	vadd.s32 v1, v8;
	v8 =	vld [tilespmem:s23+$0x4000]  }
0xe2: {  	v63 =	vld [tilespmem:s22+$0x4000]  }
0xe3: {  	[tilespmem:v3+s17+$0x0] =	vst.idx.add.s32.msk $0xffff, v2  }
0xe4: {  	s24 =	sadd.s32 $0x10, s1;
	s25 =	sadd.s32 $0x20, s1;
	[tilespmem:v5+s15+$0x0] =	vst.idx.add.s32.msk $0xffff, v2  }
0xe5: {  	s26 =	sor.u32 $0x100, s1;
	s28 =	sor.u32 $0x180, s1;
	s31 =	sor.u32 $0x100, s24;
	[tilespmem:v6+s15+$0x0] =	vst.idx.add.s32.msk $0xffff, v2  }
0xe6: {  	s30 =	sor.u32 $0x100, s25;
	s24 =	sor.u32 $0x180, s24;
	s22 =	simm.s32 $0x4;
	[tilespmem:v7+s15+$0x0] =	vst.idx.add.s32.msk $0xffff, v2;
	v6 =	vadd.s32 v1, v8  }
0xe7: {  	v3 =	vadd.s32 v1, v62;
	s23 =	sor.u32 $0x180, s25;
	s25 =	simm.s32 $0x200;
	v5 =	vadd.s32 v1, v4;
	v4 =	vadd.s32 v1, v63;
	v7 =	vld [tilespmem:s26+$0x4000];
	s26 =	simm.s32 $0x80  }
.LBB2_12:
0xe8: {  	s0 =	sand.u32 $0x40, s26;
	s1 =	sand.u32 $0x3E00, s25;
	v8 =	vld [tilespmem:s31+$0x4000]  }
0xe9: {  	s22 =	sadd.s32 $0x4, s22;
	s0 =	sor.u32 s0, s1;
	v9 =	vld [tilespmem:s30+$0x4000]  }
0xea: {  	p1 =	slt.u32 s22, $0xFC;
	v10 =	vld [tilespmem:s0+$0x4030]  }
0xeb: {  	s1 =	sor.u32 $0x180, s29;
	[tilespmem:v6+s16+$0x0] =	vst.idx.add.s32.msk $0xffff, v2  }
0xec: {  	v6 =	vadd.s32 v1, v7;
	v7 =	vld [tilespmem:s1+$0x4000]  }
0xed: {  	v11 =	vld [tilespmem:s0+$0x4000];
	v8 =	vadd.s32 v1, v8  }
0xee: {  	v12 =	vld [tilespmem:s0+$0x4010];
	v9 =	vadd.s32 v1, v9  }
0xef: {  	v13 =	vld [tilespmem:s0+$0x4020];
	v10 =	vadd.s32 v1, v10  }
0xf0: {  	[tilespmem:v5+s17+$0x0] =	vst.idx.add.s32.msk $0xffff, v2  }
0xf1: {  	[tilespmem:v6+s16+$0x0] =	vst.idx.add.s32.msk $0xffff, v2;
	v5 =	vadd.s32 v1, v7  }
0xf2: {  	v6 =	vadd.s32 v1, v11;
	[tilespmem:v8+s16+$0x0] =	vst.idx.add.s32.msk $0xffff, v2  }
0xf3: {  	v7 =	vadd.s32 v1, v12;
	[tilespmem:v9+s16+$0x0] =	vst.idx.add.s32.msk $0xffff, v2  }
0xf4: {  	v8 =	vadd.s32 v1, v13;
	[tilespmem:v10+s14+$0x0] =	vst.idx.add.s32.msk $0xffff, v2  }
0xf5: {  	v9 =	vld [tilespmem:s0+$0x40B0]  }
0xf6: {  	[tilespmem:v5+s17+$0x0] =	vst.idx.add.s32.msk $0xffff, v2  }
0xf7: {  	[tilespmem:v6+s14+$0x0] =	vst.idx.add.s32.msk $0xffff, v2  }
0xf8: {  	[tilespmem:v7+s14+$0x0] =	vst.idx.add.s32.msk $0xffff, v2  }
0xf9: {  	[tilespmem:v8+s14+$0x0] =	vst.idx.add.s32.msk $0xffff, v2  }
0xfa: {  	v5 =	vld [tilespmem:s0+$0x4080]  }
0xfb: {  	p0 =	por !p0, !p0;
	s1 =	simm.s32 $0x1;
	v7 =	vadd.s32 v1, v9;
	v6 =	vld [tilespmem:s0+$0x4090]  }
0xfc: {  	s1 =	simm.s32 @!p0 $0x0;
	v8 =	vld [tilespmem:s0+$0x40A0]  }
0xfd: {  	s0 =	sshll.u32 s1, $0x6;
	v9 =	vld [tilespmem:s28+$0x4000]  }
0xfe: {  	s0 =	sadd.s32 s0, s25;
	v10 =	vld [tilespmem:s24+$0x4000]  }
0xff: {  	s1 =	sadd.s32 $0x10, s0;
	s2 =	sadd.s32 $0x20, s0;
	s29 =	sadd.s32 $0x30, s0;
	v11 =	vadd.s32 v1, v5;
	v12 =	vld [tilespmem:s23+$0x4000]  }
0x100: {  	s31 =	sor.u32 $0x100, s1;
	s30 =	sor.u32 $0x100, s2;
	s12 =	sor.u32 $0x100, s29;
	v6 =	vadd.s32 v1, v6;
	[tilespmem:v7+s15+$0x0] =	vst.idx.add.s32.msk $0xffff, v2  }
0x101: {  	s10 =	sor.u32 $0x100, s0;
	s24 =	sor.u32 $0x180, s1;
	s23 =	sor.u32 $0x180, s2;
	v7 =	vadd.s32 v1, v8;
	v8 =	vld [tilespmem:s12+$0x4000]  }
0x102: {  	s28 =	sor.u32 $0x180, s0;
	v5 =	vadd.s32 v1, v9;
	[tilespmem:v3+s17+$0x0] =	vst.idx.add.s32.msk $0xffff, v2  }
.Ltmp5:
0x103: {  	v3 =	vadd.s32 v1, v10;
	[tilespmem:v4+s17+$0x0] =	vst.idx.add.s32.msk $0xffff, v2;
	(pc) =	sbr.rel @p1 .LBB2_12-.Ltmp5, $4  }
0x104: {  	[tilespmem:v11+s15+$0x0] =	vst.idx.add.s32.msk $0xffff, v2;
	v4 =	vadd.s32 v1, v12  }
0x105: {  	[tilespmem:v6+s15+$0x0] =	vst.idx.add.s32.msk $0xffff, v2  }
0x106: {  	[tilespmem:v7+s15+$0x0] =	vst.idx.add.s32.msk $0xffff, v2;
	v6 =	vadd.s32 v1, v8  }
0x107: {  	s26 =	sadd.s32 $0x40, s26;
	s25 =	sadd.s32 $0x100, s25;
	v7 =	vld [tilespmem:s10+$0x4000]  }
0x108: {  	v8 =	vld [tilespmem:s31+$0x4000]  }
0x109: {  	v9 =	vld [tilespmem:s30+$0x4000];
	_ =	sdelay $0x2  }
0x10a: {  	v7 =	vadd.s32 v1, v7  }
0x10b: {  	v8 =	vadd.s32 v1, v8  }
0x10c: {  	v9 =	vadd.s32 v1, v9  }
0x10d: {  	[tilespmem:v6+s16+$0x0] =	vst.idx.add.s32.msk $0xffff, v2;
	s0 =	sor.u32 $0x180, s29  }
0x10e: {  	v6 =	vld [tilespmem:s0+$0x4000]  }
0x10f: {  	[tilespmem:v7+s16+$0x0] =	vst.idx.add.s32.msk $0xffff, v2  }
0x110: {  	[tilespmem:v8+s16+$0x0] =	vst.idx.add.s32.msk $0xffff, v2  }
0x111: {  	[tilespmem:v9+s16+$0x0] =	vst.idx.add.s32.msk $0xffff, v2  }
0x112: {  	v7 =	vld [tilespmem:s28+$0x4000]  }
0x113: {  	v8 =	vld [tilespmem:s24+$0x4000]  }
0x114: {  	v9 =	vld [tilespmem:s23+$0x4000];
	_ =	sdelay $0x1  }
0x115: {  	v6 =	vadd.s32 v1, v6  }
0x116: {  	v7 =	vadd.s32 v1, v7  }
0x117: {  	[tilespmem:v5+s17+$0x0] =	vst.idx.add.s32.msk $0xffff, v2;
	v62 =	vadd.s32 v1, v8  }
0x118: {  	[tilespmem:v3+s17+$0x0] =	vst.idx.add.s32.msk $0xffff, v2;
	v63 =	vadd.s32 v1, v9  }
0x119: {  	[tilespmem:v4+s17+$0x0] =	vst.idx.add.s32.msk $0xffff, v2  }
0x11a: {  	[tilespmem:v6+s17+$0x0] =	vst.idx.add.s32.msk $0xffff, v2  }
0x11b: {  	[tilespmem:v7+s17+$0x0] =	vst.idx.add.s32.msk $0xffff, v2  }
0x11c: {  	[tilespmem:v62+s17+$0x0] =	vst.idx.add.s32.msk $0xffff, v2  }
0x11d: {  	[tilespmem:v63+s17+$0x0] =	vst.idx.add.s32.msk $0xffff, v2  }
0x11e: {  	[hbm4b:s5+s19] =	stream.strided.scatter [tilespmem:s14], [sflag:$0x3], $0x480, s11, s19, $0x38;
	[tilespmem:$0x9200] =	vst v63  }
0x11f: {  	_ =	swait.ge [sflag:s20], $0x480  }
0x120: {  	[sflag:s20] =	ssyncset.done $0x0  }
0x121: {  	[sflag:s20] =	ssyncadd.s32 $0xFFFFFB80  }
0x122: {  	[hbm4b:s6+s19] =	stream.strided.scatter [tilespmem:s15], [sflag:$0x3], $0x480, s11, s19, $0x38;
	[tilespmem:$0x9200] =	vst v63  }
0x123: {  	_ =	swait.ge [sflag:s20], $0x480  }
0x124: {  	[sflag:s20] =	ssyncset.done $0x0  }
0x125: {  	[sflag:s20] =	ssyncadd.s32 $0xFFFFFB80  }
0x126: {  	[hbm4b:s7+s19] =	stream.strided.scatter [tilespmem:s16], [sflag:$0x3], $0x480, s11, s19, $0x38;
	[tilespmem:$0x9200] =	vst v63  }
0x127: {  	s21 =	sadd.s32 $0x1, s21;
	_ =	swait.ge [sflag:s20], $0x480  }
0x128: {  	p0 =	sne.s32 s21, s9;
	[sflag:s20] =	ssyncset.done $0x0  }
.Ltmp6:
0x129: {  	[sflag:s20] =	ssyncadd.s32 $0xFFFFFB80;
	(pc) =	sbr.rel @p0 .LBB2_1-.Ltmp6, $4  }
0x12a: {  	[hbm4b:s8+s19] =	stream.strided.scatter [tilespmem:s17], [sflag:$0x3], $0x480, s11, s19, $0x38;
	[tilespmem:$0x9200] =	vst v63  }
0x12b: {  	_ =	swait.ge [sflag:s20], $0x480  }
0x12c: {  	[sflag:s20] =	ssyncset.done $0x0  }
0x12d: {  	[sflag:s20] =	ssyncadd.s32 $0xFFFFFB80  }
0x12e: {  	_ =	sfence.sel $0x180000  }
0x12f: {  	[bflag:$0x0] =	sbarrier.arrive $0xFFFF  }
0x130: {  	_ =	strace $0x90000047  }
0x131: {  	s0 =	stileid.u32;
	[bflag:$0x2] =	sbarrier.arrive $0xFFFF  }
0x132: {  	p0 =	sne.s32 s0, $0x0;
	s0 =	rddreg [dreg:$0x2]  }
0x133: {  	s0 =	sadd.s32 @!p0 $0x100000, s0  }
0x134: {  	[sflag:s0] =	ssyncadd.tile.s32 @!p0 $0x1;
	_ =	shalt  }
.Lfunc_end2:
_tile_overlayer_lowered:
.L_overlay_start_2:
0x135: {  	(tag) =	ssettag $0x2  }
0x136: {  	s0 =	rddreg [dreg:$0x0];
	s2 =	stileid.u32  }
0x137: {  	s1 =	rddreg [dreg:$0x1];
	p0 =	sne.s32 s2, $0x0  }
0x138: {  	s3 =	rddreg [dreg:$0x2];
	[bflag:$0x3] =	sbarrier.arrive $0xFFFF;
	s2 =	simm.s32 @!p0 $0x1C03  }
0x139: {  	[timem:s3], [sflag:s2] =	dma.local @!p0 [hbm:s0], s1  }
0x13a: {  	s0 =	simm.s32 @!p0 $0x3  }
0x13b: {  	_ =	swait.ge @!p0 [sflag:s0], s1  }
0x13c: {  	s1 =	ssub.s32 @!p0 $0x0, s1;
	[sflag:s0] =	ssyncset.done @!p0 $0x0  }
0x13d: {  	[sflag:s0] =	ssyncadd.s32 @!p0 s1  }
0x13e: {  	[bflag:$0x3] =	sbarrier.arrive $0xFFFF  }
0x13f: {  	_ =	shalt  }

</sc_bundles>
